<compile_context>
chip_gen: v7x
topology: tpu7x:2x2x1
jax: 0.10.2.dev20260603
libtpu: 0.0.44.dev20260713+nightly
codegen_flags: <defaults>
</compile_context>

<pallas_src>
import functools

import jax
import jax.numpy as jnp
from jax import lax
from jax.experimental import pallas as pl
from jax.experimental.pallas import tpu as pltpu
from jax.experimental.pallas import tpu_sc as plsc

_SEQ = 2048
_NTOK = _SEQ * _SEQ
_D = 64
_DP = 128
_NC = 2
_NS = 16
_NW = _NC * _NS
_PER_W = _NTOK // _NW
_ILIM = 128
_GROUP = 256
_GPG = _GROUP // _ILIM
_SUP_ROWS = 16
_SUP = _SUP_ROWS * _ILIM
_GPS = _SUP // _GROUP
_NSUP = _PER_W // _SUP


def kernel(relative_position, emb):
    idx2 = relative_position.reshape(_NTOK // _ILIM, _ILIM)
    emb_p = jnp.pad(emb, ((0, 0), (0, _DP - _D)))
    mesh = plsc.VectorSubcoreMesh(core_axis_name="c", subcore_axis_name="s")

    @functools.partial(
        pl.kernel,
        out_type=jax.ShapeDtypeStruct((_SEQ, _SEQ, _DP), jnp.float32),
        mesh=mesh,
        compiler_params=pltpu.CompilerParams(use_tc_tiling_on_sc=True),
        scratch_types=[
            pltpu.VMEM((_SUP_ROWS, _ILIM), jnp.int32),
            pltpu.VMEM((_SUP_ROWS, _ILIM), jnp.int32),
            pltpu.VMEM((_GROUP, _DP), jnp.float32),
            pltpu.VMEM((_GROUP, _DP), jnp.float32),
            pltpu.VMEM_SHARED((257, _DP), jnp.float32),
            pltpu.SemaphoreType.DMA,
            pltpu.SemaphoreType.DMA,
            pltpu.SemaphoreType.DMA,
            pltpu.SemaphoreType.DMA,
            pltpu.SemaphoreType.DMA,
            pltpu.SemaphoreType.DMA,
        ],
    )
    def _lookup(idx_hbm, emb_hbm, out_hbm, ibuf0, ibuf1, rows0, rows1,
                tbl_s, si0, si1, sg0, sg1, sw0, sw1):
        wid = lax.axis_index("s") * _NC + lax.axis_index("c")
        base = wid * _PER_W
        ibase = pl.multiple_of(base // _ILIM, _SUP_ROWS)
        si = (si0, si1)
        sg = (sg0, sg1)
        sw = (sw0, sw1)
        ibuf = (ibuf0, ibuf1)
        rows = (rows0, rows1)

        @pl.when(lax.axis_index("s") == 0)
        def _():
            pltpu.sync_copy(emb_hbm, tbl_s)

        plsc.subcore_barrier()

        def idx_load(sup, ss):
            start = pl.multiple_of(ibase + sup * _SUP_ROWS, _SUP_ROWS)
            pltpu.async_copy(
                idx_hbm.at[pl.ds(start, _SUP_ROWS)], ibuf[ss], si[ss])

        idx_load(0, 0)
        idx_load(1, 1)

        def sup_body(s2, carry):
            for ss in (0, 1):
                s = s2 * 2 + ss
                pltpu.make_async_copy(
                    idx_hbm.at[pl.ds(ibase, _SUP_ROWS)], ibuf[ss],
                    si[ss]).wait()

                def grp_body(q2, carry2):
                    for b in (0, 1):
                        q = q2 * 2 + b
                        g = s * _GPS + q
                        off = base + g * _GROUP
                        row_i = off // _SEQ
                        col_j = pl.multiple_of(off % _SEQ, _GROUP)
                        qs = q * _GPG

                        @pl.when(g >= 2)
                        def _():
                            pltpu.make_async_copy(
                                rows[b],
                                out_hbm.at[0, pl.ds(0, _GROUP)],
                                sw[b]).wait()

                        for j in range(_GPG):
                            pltpu.async_copy(
                                tbl_s.at[ibuf[ss].at[qs + j]],
                                rows[b].at[pl.ds(j * _ILIM, _ILIM)], sg[b])
                        for j in range(_GPG):
                            pltpu.make_async_copy(
                                tbl_s.at[ibuf[ss].at[qs + j]],
                                rows[b].at[pl.ds(j * _ILIM, _ILIM)],
                                sg[b]).wait()
                        pltpu.async_copy(
                            rows[b],
                            out_hbm.at[row_i, pl.ds(col_j, _GROUP)],
                            sw[b])
                    return carry2

                lax.fori_loop(0, _GPS // 2, grp_body, 0)

                idx_load(jnp.minimum(s + 2, _NSUP - 1), ss)
            return carry

        lax.fori_loop(0, _NSUP // 2, sup_body, 0)

        for b in (0, 1):
            pltpu.make_async_copy(
                idx_hbm.at[pl.ds(ibase, _SUP_ROWS)], ibuf[b], si[b]).wait()
            pltpu.make_async_copy(
                rows[b], out_hbm.at[0, pl.ds(0, _GROUP)], sw[b]).wait()

    out = _lookup(idx2, emb_p)
    return out[:, :, :_D]

# --- scband reference (transcript-rebuilt; emitter-appended) ---
"""Pipeline reference for scband-relative-position-embedding-69518340653259 (READ-ONLY COPY).

The authoritative reference and input builder live on the scoring server;
editing this copy changes nothing except your own understanding.
"""

import jax, jax.numpy as jnp
import numpy as np

SEQ_LEN = 2048
K_WIN = 128
NUM_EMB = 2 * K_WIN + 1  # 257
D_K = 1024 // 16  # 64


def setup_inputs(seed: int = 0) -> dict:
    key = jax.random.key(seed)
    k1, k2 = jax.random.split(key)
    relative_position = jax.random.randint(k1, (SEQ_LEN, SEQ_LEN), 0, NUM_EMB, dtype=jnp.int64 if jax.config.jax_enable_x64 else jnp.int32).astype(jnp.int32)
    emb = jax.random.normal(k2, (NUM_EMB, D_K), dtype=jnp.float32)
    return {"relative_position": relative_position, "emb": emb}


def reference(relative_position, emb):
    # nn.Embedding lookup: out[i, j, :] = emb[relative_position[i, j], :]
    out = jnp.take(emb, relative_position, axis=0)
    return out

if __name__ == "__main__":
    import jax
    _d = setup_inputs()
    print(jax.jit(kernel)(*tuple(_d.values())))

</pallas_src>

<mosaic_0001>
#map = affine_map<(d0, d1) -> (0, 0)>
#map1 = affine_map<(d0, d1) -> (0, 0, 0)>
module attributes {stable_mosaic.version = 14 : i64} {
  func.func @_lookup(%arg0: i32, %arg1: i32, %arg2: memref<32768x128xi32, #tpu.memory_space<hbm>>, %arg3: memref<257x128xf32, #tpu.memory_space<hbm>>, %arg4: memref<2048x2048x128xf32, #tpu.memory_space<hbm>>, %arg5: memref<16x128xi32, #tpu.memory_space<vmem>>, %arg6: memref<16x128xi32, #tpu.memory_space<vmem>>, %arg7: memref<256x128xf32, #tpu.memory_space<vmem>>, %arg8: memref<256x128xf32, #tpu.memory_space<vmem>>, %arg9: memref<257x128xf32, #tpu.memory_space<vmem_shared>>, %arg10: memref<!tpu.dma_semaphore, #tpu.memory_space<semaphore_mem>>, %arg11: memref<!tpu.dma_semaphore, #tpu.memory_space<semaphore_mem>>, %arg12: memref<!tpu.dma_semaphore, #tpu.memory_space<semaphore_mem>>, %arg13: memref<!tpu.dma_semaphore, #tpu.memory_space<semaphore_mem>>, %arg14: memref<!tpu.dma_semaphore, #tpu.memory_space<semaphore_mem>>, %arg15: memref<!tpu.dma_semaphore, #tpu.memory_space<semaphore_mem>>) attributes {dimension_semantics = [#tpu.dimension_semantics<core_parallel>, #tpu.dimension_semantics<subcore_parallel>], iteration_bounds = array<i64: 2, 16>, scalar_prefetch = 0 : i64, scratch_operands = 11 : i64, tpu.core_type = #tpu.core_type<sc_vector_subcore>, window_params = [{transform_indices = #map}, {transform_indices = #map}, {transform_indices = #map1}]} {
    %mul3A = arith.constant 2 : i32
    %mul3A_0 = arith.muli %arg1, %mul3A : i32
    %add3A = arith.addi %mul3A_0, %arg0 : i32
    %mul3A_1 = arith.constant 131072 : i32
    %mul3A_2 = arith.muli %add3A, %mul3A_1 : i32
    %jit3A = arith.constant 128 : i32
    %div3A = arith.divsi %mul3A_2, %jit3A : i32
    %sign3A = arith.constant 0 : i32
    %sign3A_3 = arith.cmpi sgt, %mul3A_2, %sign3A : i32
    %sign3A_4 = arith.extui %sign3A_3 : i1 to i32
    %sign3A_5 = arith.constant 0 : i32
    %sign3A_6 = arith.cmpi slt, %mul3A_2, %sign3A_5 : i32
    %sign3A_7 = arith.extui %sign3A_6 : i1 to i32
    %sign3A_8 = arith.subi %sign3A_4, %sign3A_7 : i32
    %sign3A_9 = arith.constant 0 : i32
    %sign3A_10 = arith.cmpi sgt, %jit3A, %sign3A_9 : i32
    %sign3A_11 = arith.extui %sign3A_10 : i1 to i32
    %sign3A_12 = arith.constant 0 : i32
    %sign3A_13 = arith.cmpi slt, %jit3A, %sign3A_12 : i32
    %sign3A_14 = arith.extui %sign3A_13 : i1 to i32
    %sign3A_15 = arith.subi %sign3A_11, %sign3A_14 : i32
    %ne3A = arith.cmpi ne, %sign3A_8, %sign3A_15 : i32
    %rem3A = arith.remsi %mul3A_2, %jit3A : i32
    %ne3A_16 = arith.constant 0 : i32
    %ne3A_17 = arith.cmpi ne, %rem3A, %ne3A_16 : i32
    %and3A = arith.andi %ne3A, %ne3A_17 : i1
    %sub3A = arith.constant 1 : i32
    %sub3A_18 = arith.subi %div3A, %sub3A : i32
    %select_n3A = arith.select %and3A, %sub3A_18, %div3A : i32
    %multiple_of3A = tpu.assume_multiple %select_n3A, 16 : i32
    %eq3A = arith.constant 0 : i32
    %eq3A_19 = arith.cmpi eq, %arg1, %eq3A : i32
    %convert_element_type3A = arith.extui %eq3A_19 : i1 to i32
    %cond3A = arith.constant 0 : i32
    %cond3A_20 = arith.cmpi ne, %convert_element_type3A, %cond3A : i32
    scf.if %cond3A_20 {
      "tpu.region"() ({
        %run_scoped3A = tpu.sem_alloc : memref<!tpu.dma_semaphore, #tpu.memory_space<semaphore_mem>>
        tpu.enqueue_dma source(%arg3 : memref<257x128xf32, #tpu.memory_space<hbm>>) target(%arg9 : memref<257x128xf32, #tpu.memory_space<vmem_shared>>) target_semaphore(%run_scoped3A : memref<!tpu.dma_semaphore, #tpu.memory_space<semaphore_mem>>)
        tpu.wait_dma2 semaphore(%run_scoped3A : memref<!tpu.dma_semaphore, #tpu.memory_space<semaphore_mem>>) src(%arg3 : memref<257x128xf32, #tpu.memory_space<hbm>>) dst(%arg9 : memref<257x128xf32, #tpu.memory_space<vmem_shared>>)
        tpu.yield
      }) : () -> ()
    } else {
    }
    %barrier3A = arith.constant 0 : index
    tpu.barrier barrier_id(%barrier3A)
    %add3A_21 = arith.constant 0 : i32
    %add3A_22 = arith.addi %multiple_of3A, %add3A_21 : i32
    %multiple_of3A_23 = tpu.assume_multiple %add3A_22, 16 : i32
    %dma_start3A = arith.constant 0 : i32
    %dma_start3A_24 = tpu.memref_slice %arg2[%multiple_of3A_23, %dma_start3A] : memref<32768x128xi32, #tpu.memory_space<hbm>> -> memref<16x128xi32, #tpu.memory_space<hbm>>
    %dma_start3A_25 = arith.constant 0 : i32
    %dma_start3A_26 = tpu.memref_slice %arg2[%multiple_of3A_23, %dma_start3A_25] : memref<32768x128xi32, #tpu.memory_space<hbm>> -> memref<16x128xi32, #tpu.memory_space<hbm>>
    tpu.enqueue_dma source(%dma_start3A_26 : memref<16x128xi32, #tpu.memory_space<hbm>>) target(%arg5 : memref<16x128xi32, #tpu.memory_space<vmem>>) target_semaphore(%arg10 : memref<!tpu.dma_semaphore, #tpu.memory_space<semaphore_mem>>)
    %add3A_27 = arith.constant 16 : i32
    %add3A_28 = arith.addi %multiple_of3A, %add3A_27 : i32
    %multiple_of3A_29 = tpu.assume_multiple %add3A_28, 16 : i32
    %dma_start3A_30 = arith.constant 0 : i32
    %dma_start3A_31 = tpu.memref_slice %arg2[%multiple_of3A_29, %dma_start3A_30] : memref<32768x128xi32, #tpu.memory_space<hbm>> -> memref<16x128xi32, #tpu.memory_space<hbm>>
    %dma_start3A_32 = arith.constant 0 : i32
    %dma_start3A_33 = tpu.memref_slice %arg2[%multiple_of3A_29, %dma_start3A_32] : memref<32768x128xi32, #tpu.memory_space<hbm>> -> memref<16x128xi32, #tpu.memory_space<hbm>>
    tpu.enqueue_dma source(%dma_start3A_33 : memref<16x128xi32, #tpu.memory_space<hbm>>) target(%arg6 : memref<16x128xi32, #tpu.memory_space<vmem>>) target_semaphore(%arg11 : memref<!tpu.dma_semaphore, #tpu.memory_space<semaphore_mem>>)
    %scan3A = arith.constant 0 : i32
    %scan3A_34 = arith.constant 0 : i32
    %scan3A_35 = arith.constant 32 : i32
    %scan3A_36 = arith.addi %scan3A_34, %scan3A_35 : i32
    %scan3A_37 = arith.constant 1 : i32
    scf.for %scan3A_64 = %scan3A_34 to %scan3A_36 step %scan3A_37  : i32 {
      %mul3A_65 = arith.constant 2 : i32
      %mul3A_66 = arith.muli %scan3A_64, %mul3A_65 : i32
      %add3A_67 = arith.constant 0 : i32
      %add3A_68 = arith.addi %mul3A_66, %add3A_67 : i32
      %dma_wait3A_69 = arith.constant 0 : i32
      %dma_wait3A_70 = tpu.memref_slice %arg2[%multiple_of3A, %dma_wait3A_69] : memref<32768x128xi32, #tpu.memory_space<hbm>> -> memref<16x128xi32, #tpu.memory_space<hbm>>
      %dma_wait3A_71 = arith.constant 0 : i32
      %dma_wait3A_72 = tpu.memref_slice %arg2[%multiple_of3A, %dma_wait3A_71] : memref<32768x128xi32, #tpu.memory_space<hbm>> -> memref<16x128xi32, #tpu.memory_space<hbm>>
      tpu.wait_dma2 semaphore(%arg10 : memref<!tpu.dma_semaphore, #tpu.memory_space<semaphore_mem>>) src(%dma_wait3A_72 : memref<16x128xi32, #tpu.memory_space<hbm>>) dst(%arg5 : memref<16x128xi32, #tpu.memory_space<vmem>>)
      %scan3A_73 = arith.constant 0 : i32
      %scan3A_74 = arith.constant 0 : i32
      %scan3A_75 = arith.constant 4 : i32
      %scan3A_76 = arith.addi %scan3A_74, %scan3A_75 : i32
      %scan3A_77 = arith.constant 1 : i32
      scf.for %scan3A_116 = %scan3A_74 to %scan3A_76 step %scan3A_77  : i32 {
        %mul3A_117 = arith.constant 2 : i32
        %mul3A_118 = arith.muli %scan3A_116, %mul3A_117 : i32
        %add3A_119 = arith.constant 0 : i32
        %add3A_120 = arith.addi %mul3A_118, %add3A_119 : i32
        %mul3A_121 = arith.constant 8 : i32
        %mul3A_122 = arith.muli %add3A_68, %mul3A_121 : i32
        %add3A_123 = arith.addi %mul3A_122, %add3A_120 : i32
        %mul3A_124 = arith.constant 256 : i32
        %mul3A_125 = arith.muli %add3A_123, %mul3A_124 : i32
        %add3A_126 = arith.addi %mul3A_2, %mul3A_125 : i32
        %jit3A_127 = arith.constant 2048 : i32
        %div3A_128 = arith.divsi %add3A_126, %jit3A_127 : i32
        %sign3A_129 = arith.constant 0 : i32
        %sign3A_130 = arith.cmpi sgt, %add3A_126, %sign3A_129 : i32
        %sign3A_131 = arith.extui %sign3A_130 : i1 to i32
        %sign3A_132 = arith.constant 0 : i32
        %sign3A_133 = arith.cmpi slt, %add3A_126, %sign3A_132 : i32
        %sign3A_134 = arith.extui %sign3A_133 : i1 to i32
        %sign3A_135 = arith.subi %sign3A_131, %sign3A_134 : i32
        %sign3A_136 = arith.constant 0 : i32
        %sign3A_137 = arith.cmpi sgt, %jit3A_127, %sign3A_136 : i32
        %sign3A_138 = arith.extui %sign3A_137 : i1 to i32
        %sign3A_139 = arith.constant 0 : i32
        %sign3A_140 = arith.cmpi slt, %jit3A_127, %sign3A_139 : i32
        %sign3A_141 = arith.extui %sign3A_140 : i1 to i32
        %sign3A_142 = arith.subi %sign3A_138, %sign3A_141 : i32
        %ne3A_143 = arith.cmpi ne, %sign3A_135, %sign3A_142 : i32
        %rem3A_144 = arith.remsi %add3A_126, %jit3A_127 : i32
        %ne3A_145 = arith.constant 0 : i32
        %ne3A_146 = arith.cmpi ne, %rem3A_144, %ne3A_145 : i32
        %and3A_147 = arith.andi %ne3A_143, %ne3A_146 : i1
        %sub3A_148 = arith.constant 1 : i32
        %sub3A_149 = arith.subi %div3A_128, %sub3A_148 : i32
        %select_n3A_150 = arith.select %and3A_147, %sub3A_149, %div3A_128 : i32
        %jit3A_151 = arith.constant 2048 : i32
        %eq3A_152 = arith.constant 0 : i32
        %eq3A_153 = arith.cmpi eq, %jit3A_151, %eq3A_152 : i32
        %jit3A_154 = arith.constant 1 : i32
        %select_n3A_155 = arith.select %eq3A_153, %jit3A_154, %jit3A_151 : i32
        %rem3A_156 = arith.remsi %add3A_126, %select_n3A_155 : i32
        %ne3A_157 = arith.constant 0 : i32
        %ne3A_158 = arith.cmpi ne, %rem3A_156, %ne3A_157 : i32
        %lt3A = arith.constant 0 : i32
        %lt3A_159 = arith.cmpi slt, %rem3A_156, %lt3A : i32
        %lt3A_160 = arith.constant 0 : i32
        %lt3A_161 = arith.cmpi slt, %select_n3A_155, %lt3A_160 : i32
        %ne3A_162 = arith.xori %lt3A_159, %lt3A_161 : i1
        %and3A_163 = arith.andi %ne3A_162, %ne3A_158 : i1
        %add3A_164 = arith.addi %rem3A_156, %select_n3A_155 : i32
        %select_n3A_165 = arith.select %and3A_163, %add3A_164, %rem3A_156 : i32
        %multiple_of3A_166 = tpu.assume_multiple %select_n3A_165, 256 : i32
        %mul3A_167 = arith.constant 2 : i32
        %mul3A_168 = arith.muli %add3A_120, %mul3A_167 : i32
        %ge3A = arith.constant 2 : i32
        %ge3A_169 = arith.cmpi sge, %add3A_123, %ge3A : i32
        %convert_element_type3A_170 = arith.extui %ge3A_169 : i1 to i32
        %cond3A_171 = arith.constant 0 : i32
        %cond3A_172 = arith.cmpi ne, %convert_element_type3A_170, %cond3A_171 : i32
        scf.if %cond3A_172 {
          %dma_wait3A_331 = arith.constant 0 : i32
          %dma_wait3A_332 = arith.constant 0 : i32
          %dma_wait3A_333 = arith.constant 0 : i32
          %dma_wait3A_334 = tpu.memref_slice %arg4[%dma_wait3A_331, %dma_wait3A_332, %dma_wait3A_333] : memref<2048x2048x128xf32, #tpu.memory_space<hbm>> -> memref<1x256x128xf32, #tpu.memory_space<hbm>>
          %dma_wait3A_335 = tpu.memref_squeeze %dma_wait3A_334 : memref<1x256x128xf32, #tpu.memory_space<hbm>> -> memref<256x128xf32, #tpu.memory_space<hbm>>
          %dma_wait3A_336 = arith.constant 0 : i32
          %dma_wait3A_337 = arith.constant 0 : i32
          %dma_wait3A_338 = tpu.memref_slice %arg4[%dma_wait3A_331, %dma_wait3A_336, %dma_wait3A_337] : memref<2048x2048x128xf32, #tpu.memory_space<hbm>> -> memref<1x256x128xf32, #tpu.memory_space<hbm>>
          %dma_wait3A_339 = tpu.memref_squeeze %dma_wait3A_338 : memref<1x256x128xf32, #tpu.memory_space<hbm>> -> memref<256x128xf32, #tpu.memory_space<hbm>>
          tpu.wait_dma2 semaphore(%arg14 : memref<!tpu.dma_semaphore, #tpu.memory_space<semaphore_mem>>) src(%arg7 : memref<256x128xf32, #tpu.memory_space<vmem>>) dst(%dma_wait3A_339 : memref<256x128xf32, #tpu.memory_space<hbm>>)
        } else {
        }
        %add3A_173 = arith.constant 0 : i32
        %add3A_174 = arith.addi %mul3A_168, %add3A_173 : i32
        %dma_start3A_175 = arith.constant 0 : i32
        %dma_start3A_176 = arith.constant 0 : i32
        %dma_start3A_177 = tpu.memref_slice %arg7[%dma_start3A_175, %dma_start3A_176] : memref<256x128xf32, #tpu.memory_space<vmem>> -> memref<128x128xf32, #tpu.memory_space<vmem>>
        %dma_start3A_178 = arith.constant 0 : i32
        %dma_start3A_179 = tpu.memref_slice %arg5[%add3A_174, %dma_start3A_178] : memref<16x128xi32, #tpu.memory_space<vmem>> -> memref<1x128xi32, #tpu.memory_space<vmem>>
        %dma_start3A_180 = tpu.memref_squeeze %dma_start3A_179 : memref<1x128xi32, #tpu.memory_space<vmem>> -> memref<128xi32, #tpu.memory_space<vmem>>
        %dma_start3A_181 = arith.constant 0 : i32
        %dma_start3A_182 = arith.constant 0 : i32
        %dma_start3A_183 = tpu.memref_slice %arg9[%dma_start3A_181, %dma_start3A_182] : memref<257x128xf32, #tpu.memory_space<vmem_shared>> -> memref<257x128xf32, #tpu.memory_space<vmem_shared>>
        tpu.enqueue_indirect_dma source(%dma_start3A_183 : memref<257x128xf32, #tpu.memory_space<vmem_shared>>) target(%dma_start3A_177 : memref<128x128xf32, #tpu.memory_space<vmem>>) offsets(%dma_start3A_180 : memref<128xi32, #tpu.memory_space<vmem>>) semaphore(%arg12 : memref<!tpu.dma_semaphore, #tpu.memory_space<semaphore_mem>>)
        %add3A_184 = arith.constant 1 : i32
        %add3A_185 = arith.addi %mul3A_168, %add3A_184 : i32
        %dma_start3A_186 = arith.constant 128 : i32
        %dma_start3A_187 = arith.constant 0 : i32
        %dma_start3A_188 = tpu.memref_slice %arg7[%dma_start3A_186, %dma_start3A_187] : memref<256x128xf32, #tpu.memory_space<vmem>> -> memref<128x128xf32, #tpu.memory_space<vmem>>
        %dma_start3A_189 = arith.constant 0 : i32
        %dma_start3A_190 = tpu.memref_slice %arg5[%add3A_185, %dma_start3A_189] : memref<16x128xi32, #tpu.memory_space<vmem>> -> memref<1x128xi32, #tpu.memory_space<vmem>>
        %dma_start3A_191 = tpu.memref_squeeze %dma_start3A_190 : memref<1x128xi32, #tpu.memory_space<vmem>> -> memref<128xi32, #tpu.memory_space<vmem>>
        %dma_start3A_192 = arith.constant 0 : i32
        %dma_start3A_193 = arith.constant 0 : i32
        %dma_start3A_194 = tpu.memref_slice %arg9[%dma_start3A_192, %dma_start3A_193] : memref<257x128xf32, #tpu.memory_space<vmem_shared>> -> memref<257x128xf32, #tpu.memory_space<vmem_shared>>
        tpu.enqueue_indirect_dma source(%dma_start3A_194 : memref<257x128xf32, #tpu.memory_space<vmem_shared>>) target(%dma_start3A_188 : memref<128x128xf32, #tpu.memory_space<vmem>>) offsets(%dma_start3A_191 : memref<128xi32, #tpu.memory_space<vmem>>) semaphore(%arg12 : memref<!tpu.dma_semaphore, #tpu.memory_space<semaphore_mem>>)
        %add3A_195 = arith.constant 0 : i32
        %add3A_196 = arith.addi %mul3A_168, %add3A_195 : i32
        %dma_wait3A_197 = arith.constant 0 : i32
        %dma_wait3A_198 = arith.constant 0 : i32
        %dma_wait3A_199 = tpu.memref_slice %arg7[%dma_wait3A_197, %dma_wait3A_198] : memref<256x128xf32, #tpu.memory_space<vmem>> -> memref<128x128xf32, #tpu.memory_space<vmem>>
        %dma_wait3A_200 = arith.constant 0 : i32
        %dma_wait3A_201 = tpu.memref_slice %arg5[%add3A_196, %dma_wait3A_200] : memref<16x128xi32, #tpu.memory_space<vmem>> -> memref<1x128xi32, #tpu.memory_space<vmem>>
        %dma_wait3A_202 = tpu.memref_squeeze %dma_wait3A_201 : memref<1x128xi32, #tpu.memory_space<vmem>> -> memref<128xi32, #tpu.memory_space<vmem>>
        %dma_wait3A_203 = arith.constant 0 : i32
        %dma_wait3A_204 = arith.constant 0 : i32
        %dma_wait3A_205 = tpu.memref_slice %arg9[%dma_wait3A_203, %dma_wait3A_204] : memref<257x128xf32, #tpu.memory_space<vmem_shared>> -> memref<257x128xf32, #tpu.memory_space<vmem_shared>>
        tpu.wait_indirect_dma semaphore(%arg12 : memref<!tpu.dma_semaphore, #tpu.memory_space<semaphore_mem>>) src(%dma_wait3A_205 : memref<257x128xf32, #tpu.memory_space<vmem_shared>>) dst(%dma_wait3A_199 : memref<128x128xf32, #tpu.memory_space<vmem>>)
        %add3A_206 = arith.constant 1 : i32
        %add3A_207 = arith.addi %mul3A_168, %add3A_206 : i32
        %dma_wait3A_208 = arith.constant 128 : i32
        %dma_wait3A_209 = arith.constant 0 : i32
        %dma_wait3A_210 = tpu.memref_slice %arg7[%dma_wait3A_208, %dma_wait3A_209] : memref<256x128xf32, #tpu.memory_space<vmem>> -> memref<128x128xf32, #tpu.memory_space<vmem>>
        %dma_wait3A_211 = arith.constant 0 : i32
        %dma_wait3A_212 = tpu.memref_slice %arg5[%add3A_207, %dma_wait3A_211] : memref<16x128xi32, #tpu.memory_space<vmem>> -> memref<1x128xi32, #tpu.memory_space<vmem>>
        %dma_wait3A_213 = tpu.memref_squeeze %dma_wait3A_212 : memref<1x128xi32, #tpu.memory_space<vmem>> -> memref<128xi32, #tpu.memory_space<vmem>>
        %dma_wait3A_214 = arith.constant 0 : i32
        %dma_wait3A_215 = arith.constant 0 : i32
        %dma_wait3A_216 = tpu.memref_slice %arg9[%dma_wait3A_214, %dma_wait3A_215] : memref<257x128xf32, #tpu.memory_space<vmem_shared>> -> memref<257x128xf32, #tpu.memory_space<vmem_shared>>
        tpu.wait_indirect_dma semaphore(%arg12 : memref<!tpu.dma_semaphore, #tpu.memory_space<semaphore_mem>>) src(%dma_wait3A_216 : memref<257x128xf32, #tpu.memory_space<vmem_shared>>) dst(%dma_wait3A_210 : memref<128x128xf32, #tpu.memory_space<vmem>>)
        %dma_start3A_217 = arith.constant 0 : i32
        %dma_start3A_218 = tpu.memref_slice %arg4[%select_n3A_150, %multiple_of3A_166, %dma_start3A_217] : memref<2048x2048x128xf32, #tpu.memory_space<hbm>> -> memref<1x256x128xf32, #tpu.memory_space<hbm>>
        %dma_start3A_219 = tpu.memref_squeeze %dma_start3A_218 : memref<1x256x128xf32, #tpu.memory_space<hbm>> -> memref<256x128xf32, #tpu.memory_space<hbm>>
        %dma_start3A_220 = arith.constant 0 : i32
        %dma_start3A_221 = tpu.memref_slice %arg4[%select_n3A_150, %multiple_of3A_166, %dma_start3A_220] : memref<2048x2048x128xf32, #tpu.memory_space<hbm>> -> memref<1x256x128xf32, #tpu.memory_space<hbm>>
        %dma_start3A_222 = tpu.memref_squeeze %dma_start3A_221 : memref<1x256x128xf32, #tpu.memory_space<hbm>> -> memref<256x128xf32, #tpu.memory_space<hbm>>
        tpu.enqueue_dma source(%arg7 : memref<256x128xf32, #tpu.memory_space<vmem>>) target(%dma_start3A_222 : memref<256x128xf32, #tpu.memory_space<hbm>>) target_semaphore(%arg14 : memref<!tpu.dma_semaphore, #tpu.memory_space<semaphore_mem>>)
        %mul3A_223 = arith.constant 2 : i32
        %mul3A_224 = arith.muli %scan3A_116, %mul3A_223 : i32
        %add3A_225 = arith.constant 1 : i32
        %add3A_226 = arith.addi %mul3A_224, %add3A_225 : i32
        %mul3A_227 = arith.constant 8 : i32
        %mul3A_228 = arith.muli %add3A_68, %mul3A_227 : i32
        %add3A_229 = arith.addi %mul3A_228, %add3A_226 : i32
        %mul3A_230 = arith.constant 256 : i32
        %mul3A_231 = arith.muli %add3A_229, %mul3A_230 : i32
        %add3A_232 = arith.addi %mul3A_2, %mul3A_231 : i32
        %jit3A_233 = arith.constant 2048 : i32
        %div3A_234 = arith.divsi %add3A_232, %jit3A_233 : i32
        %sign3A_235 = arith.constant 0 : i32
        %sign3A_236 = arith.cmpi sgt, %add3A_232, %sign3A_235 : i32
        %sign3A_237 = arith.extui %sign3A_236 : i1 to i32
        %sign3A_238 = arith.constant 0 : i32
        %sign3A_239 = arith.cmpi slt, %add3A_232, %sign3A_238 : i32
        %sign3A_240 = arith.extui %sign3A_239 : i1 to i32
        %sign3A_241 = arith.subi %sign3A_237, %sign3A_240 : i32
        %sign3A_242 = arith.constant 0 : i32
        %sign3A_243 = arith.cmpi sgt, %jit3A_233, %sign3A_242 : i32
        %sign3A_244 = arith.extui %sign3A_243 : i1 to i32
        %sign3A_245 = arith.constant 0 : i32
        %sign3A_246 = arith.cmpi slt, %jit3A_233, %sign3A_245 : i32
        %sign3A_247 = arith.extui %sign3A_246 : i1 to i32
        %sign3A_248 = arith.subi %sign3A_244, %sign3A_247 : i32
        %ne3A_249 = arith.cmpi ne, %sign3A_241, %sign3A_248 : i32
        %rem3A_250 = arith.remsi %add3A_232, %jit3A_233 : i32
        %ne3A_251 = arith.constant 0 : i32
        %ne3A_252 = arith.cmpi ne, %rem3A_250, %ne3A_251 : i32
        %and3A_253 = arith.andi %ne3A_249, %ne3A_252 : i1
        %sub3A_254 = arith.constant 1 : i32
        %sub3A_255 = arith.subi %div3A_234, %sub3A_254 : i32
        %select_n3A_256 = arith.select %and3A_253, %sub3A_255, %div3A_234 : i32
        %jit3A_257 = arith.constant 2048 : i32
        %eq3A_258 = arith.constant 0 : i32
        %eq3A_259 = arith.cmpi eq, %jit3A_257, %eq3A_258 : i32
        %jit3A_260 = arith.constant 1 : i32
        %select_n3A_261 = arith.select %eq3A_259, %jit3A_260, %jit3A_257 : i32
        %rem3A_262 = arith.remsi %add3A_232, %select_n3A_261 : i32
        %ne3A_263 = arith.constant 0 : i32
        %ne3A_264 = arith.cmpi ne, %rem3A_262, %ne3A_263 : i32
        %lt3A_265 = arith.constant 0 : i32
        %lt3A_266 = arith.cmpi slt, %rem3A_262, %lt3A_265 : i32
        %lt3A_267 = arith.constant 0 : i32
        %lt3A_268 = arith.cmpi slt, %select_n3A_261, %lt3A_267 : i32
        %ne3A_269 = arith.xori %lt3A_266, %lt3A_268 : i1
        %and3A_270 = arith.andi %ne3A_269, %ne3A_264 : i1
        %add3A_271 = arith.addi %rem3A_262, %select_n3A_261 : i32
        %select_n3A_272 = arith.select %and3A_270, %add3A_271, %rem3A_262 : i32
        %multiple_of3A_273 = tpu.assume_multiple %select_n3A_272, 256 : i32
        %mul3A_274 = arith.constant 2 : i32
        %mul3A_275 = arith.muli %add3A_226, %mul3A_274 : i32
        %ge3A_276 = arith.constant 2 : i32
        %ge3A_277 = arith.cmpi sge, %add3A_229, %ge3A_276 : i32
        %convert_element_type3A_278 = arith.extui %ge3A_277 : i1 to i32
        %cond3A_279 = arith.constant 0 : i32
        %cond3A_280 = arith.cmpi ne, %convert_element_type3A_278, %cond3A_279 : i32
        scf.if %cond3A_280 {
          %dma_wait3A_331 = arith.constant 0 : i32
          %dma_wait3A_332 = arith.constant 0 : i32
          %dma_wait3A_333 = arith.constant 0 : i32
          %dma_wait3A_334 = tpu.memref_slice %arg4[%dma_wait3A_331, %dma_wait3A_332, %dma_wait3A_333] : memref<2048x2048x128xf32, #tpu.memory_space<hbm>> -> memref<1x256x128xf32, #tpu.memory_space<hbm>>
          %dma_wait3A_335 = tpu.memref_squeeze %dma_wait3A_334 : memref<1x256x128xf32, #tpu.memory_space<hbm>> -> memref<256x128xf32, #tpu.memory_space<hbm>>
          %dma_wait3A_336 = arith.constant 0 : i32
          %dma_wait3A_337 = arith.constant 0 : i32
          %dma_wait3A_338 = tpu.memref_slice %arg4[%dma_wait3A_331, %dma_wait3A_336, %dma_wait3A_337] : memref<2048x2048x128xf32, #tpu.memory_space<hbm>> -> memref<1x256x128xf32, #tpu.memory_space<hbm>>
          %dma_wait3A_339 = tpu.memref_squeeze %dma_wait3A_338 : memref<1x256x128xf32, #tpu.memory_space<hbm>> -> memref<256x128xf32, #tpu.memory_space<hbm>>
          tpu.wait_dma2 semaphore(%arg15 : memref<!tpu.dma_semaphore, #tpu.memory_space<semaphore_mem>>) src(%arg8 : memref<256x128xf32, #tpu.memory_space<vmem>>) dst(%dma_wait3A_339 : memref<256x128xf32, #tpu.memory_space<hbm>>)
        } else {
        }
        %add3A_281 = arith.constant 0 : i32
        %add3A_282 = arith.addi %mul3A_275, %add3A_281 : i32
        %dma_start3A_283 = arith.constant 0 : i32
        %dma_start3A_284 = arith.constant 0 : i32
        %dma_start3A_285 = tpu.memref_slice %arg8[%dma_start3A_283, %dma_start3A_284] : memref<256x128xf32, #tpu.memory_space<vmem>> -> memref<128x128xf32, #tpu.memory_space<vmem>>
        %dma_start3A_286 = arith.constant 0 : i32
        %dma_start3A_287 = tpu.memref_slice %arg5[%add3A_282, %dma_start3A_286] : memref<16x128xi32, #tpu.memory_space<vmem>> -> memref<1x128xi32, #tpu.memory_space<vmem>>
        %dma_start3A_288 = tpu.memref_squeeze %dma_start3A_287 : memref<1x128xi32, #tpu.memory_space<vmem>> -> memref<128xi32, #tpu.memory_space<vmem>>
        %dma_start3A_289 = arith.constant 0 : i32
        %dma_start3A_290 = arith.constant 0 : i32
        %dma_start3A_291 = tpu.memref_slice %arg9[%dma_start3A_289, %dma_start3A_290] : memref<257x128xf32, #tpu.memory_space<vmem_shared>> -> memref<257x128xf32, #tpu.memory_space<vmem_shared>>
        tpu.enqueue_indirect_dma source(%dma_start3A_291 : memref<257x128xf32, #tpu.memory_space<vmem_shared>>) target(%dma_start3A_285 : memref<128x128xf32, #tpu.memory_space<vmem>>) offsets(%dma_start3A_288 : memref<128xi32, #tpu.memory_space<vmem>>) semaphore(%arg13 : memref<!tpu.dma_semaphore, #tpu.memory_space<semaphore_mem>>)
        %add3A_292 = arith.constant 1 : i32
        %add3A_293 = arith.addi %mul3A_275, %add3A_292 : i32
        %dma_start3A_294 = arith.constant 128 : i32
        %dma_start3A_295 = arith.constant 0 : i32
        %dma_start3A_296 = tpu.memref_slice %arg8[%dma_start3A_294, %dma_start3A_295] : memref<256x128xf32, #tpu.memory_space<vmem>> -> memref<128x128xf32, #tpu.memory_space<vmem>>
        %dma_start3A_297 = arith.constant 0 : i32
        %dma_start3A_298 = tpu.memref_slice %arg5[%add3A_293, %dma_start3A_297] : memref<16x128xi32, #tpu.memory_space<vmem>> -> memref<1x128xi32, #tpu.memory_space<vmem>>
        %dma_start3A_299 = tpu.memref_squeeze %dma_start3A_298 : memref<1x128xi32, #tpu.memory_space<vmem>> -> memref<128xi32, #tpu.memory_space<vmem>>
        %dma_start3A_300 = arith.constant 0 : i32
        %dma_start3A_301 = arith.constant 0 : i32
        %dma_start3A_302 = tpu.memref_slice %arg9[%dma_start3A_300, %dma_start3A_301] : memref<257x128xf32, #tpu.memory_space<vmem_shared>> -> memref<257x128xf32, #tpu.memory_space<vmem_shared>>
        tpu.enqueue_indirect_dma source(%dma_start3A_302 : memref<257x128xf32, #tpu.memory_space<vmem_shared>>) target(%dma_start3A_296 : memref<128x128xf32, #tpu.memory_space<vmem>>) offsets(%dma_start3A_299 : memref<128xi32, #tpu.memory_space<vmem>>) semaphore(%arg13 : memref<!tpu.dma_semaphore, #tpu.memory_space<semaphore_mem>>)
        %add3A_303 = arith.constant 0 : i32
        %add3A_304 = arith.addi %mul3A_275, %add3A_303 : i32
        %dma_wait3A_305 = arith.constant 0 : i32
        %dma_wait3A_306 = arith.constant 0 : i32
        %dma_wait3A_307 = tpu.memref_slice %arg8[%dma_wait3A_305, %dma_wait3A_306] : memref<256x128xf32, #tpu.memory_space<vmem>> -> memref<128x128xf32, #tpu.memory_space<vmem>>
        %dma_wait3A_308 = arith.constant 0 : i32
        %dma_wait3A_309 = tpu.memref_slice %arg5[%add3A_304, %dma_wait3A_308] : memref<16x128xi32, #tpu.memory_space<vmem>> -> memref<1x128xi32, #tpu.memory_space<vmem>>
        %dma_wait3A_310 = tpu.memref_squeeze %dma_wait3A_309 : memref<1x128xi32, #tpu.memory_space<vmem>> -> memref<128xi32, #tpu.memory_space<vmem>>
        %dma_wait3A_311 = arith.constant 0 : i32
        %dma_wait3A_312 = arith.constant 0 : i32
        %dma_wait3A_313 = tpu.memref_slice %arg9[%dma_wait3A_311, %dma_wait3A_312] : memref<257x128xf32, #tpu.memory_space<vmem_shared>> -> memref<257x128xf32, #tpu.memory_space<vmem_shared>>
        tpu.wait_indirect_dma semaphore(%arg13 : memref<!tpu.dma_semaphore, #tpu.memory_space<semaphore_mem>>) src(%dma_wait3A_313 : memref<257x128xf32, #tpu.memory_space<vmem_shared>>) dst(%dma_wait3A_307 : memref<128x128xf32, #tpu.memory_space<vmem>>)
        %add3A_314 = arith.constant 1 : i32
        %add3A_315 = arith.addi %mul3A_275, %add3A_314 : i32
        %dma_wait3A_316 = arith.constant 128 : i32
        %dma_wait3A_317 = arith.constant 0 : i32
        %dma_wait3A_318 = tpu.memref_slice %arg8[%dma_wait3A_316, %dma_wait3A_317] : memref<256x128xf32, #tpu.memory_space<vmem>> -> memref<128x128xf32, #tpu.memory_space<vmem>>
        %dma_wait3A_319 = arith.constant 0 : i32
        %dma_wait3A_320 = tpu.memref_slice %arg5[%add3A_315, %dma_wait3A_319] : memref<16x128xi32, #tpu.memory_space<vmem>> -> memref<1x128xi32, #tpu.memory_space<vmem>>
        %dma_wait3A_321 = tpu.memref_squeeze %dma_wait3A_320 : memref<1x128xi32, #tpu.memory_space<vmem>> -> memref<128xi32, #tpu.memory_space<vmem>>
        %dma_wait3A_322 = arith.constant 0 : i32
        %dma_wait3A_323 = arith.constant 0 : i32
        %dma_wait3A_324 = tpu.memref_slice %arg9[%dma_wait3A_322, %dma_wait3A_323] : memref<257x128xf32, #tpu.memory_space<vmem_shared>> -> memref<257x128xf32, #tpu.memory_space<vmem_shared>>
        tpu.wait_indirect_dma semaphore(%arg13 : memref<!tpu.dma_semaphore, #tpu.memory_space<semaphore_mem>>) src(%dma_wait3A_324 : memref<257x128xf32, #tpu.memory_space<vmem_shared>>) dst(%dma_wait3A_318 : memref<128x128xf32, #tpu.memory_space<vmem>>)
        %dma_start3A_325 = arith.constant 0 : i32
        %dma_start3A_326 = tpu.memref_slice %arg4[%select_n3A_256, %multiple_of3A_273, %dma_start3A_325] : memref<2048x2048x128xf32, #tpu.memory_space<hbm>> -> memref<1x256x128xf32, #tpu.memory_space<hbm>>
        %dma_start3A_327 = tpu.memref_squeeze %dma_start3A_326 : memref<1x256x128xf32, #tpu.memory_space<hbm>> -> memref<256x128xf32, #tpu.memory_space<hbm>>
        %dma_start3A_328 = arith.constant 0 : i32
        %dma_start3A_329 = tpu.memref_slice %arg4[%select_n3A_256, %multiple_of3A_273, %dma_start3A_328] : memref<2048x2048x128xf32, #tpu.memory_space<hbm>> -> memref<1x256x128xf32, #tpu.memory_space<hbm>>
        %dma_start3A_330 = tpu.memref_squeeze %dma_start3A_329 : memref<1x256x128xf32, #tpu.memory_space<hbm>> -> memref<256x128xf32, #tpu.memory_space<hbm>>
        tpu.enqueue_dma source(%arg8 : memref<256x128xf32, #tpu.memory_space<vmem>>) target(%dma_start3A_330 : memref<256x128xf32, #tpu.memory_space<hbm>>) target_semaphore(%arg15 : memref<!tpu.dma_semaphore, #tpu.memory_space<semaphore_mem>>)
      }
      %scan3A_78 = arith.constant 4 : i32
      %add3A_79 = arith.constant 2 : i32
      %add3A_80 = arith.addi %add3A_68, %add3A_79 : i32
      %min3A = arith.constant 63 : i32
      %min3A_81 = arith.minsi %add3A_80, %min3A : i32
      %mul3A_82 = arith.constant 16 : i32
      %mul3A_83 = arith.muli %min3A_81, %mul3A_82 : i32
      %add3A_84 = arith.addi %multiple_of3A, %mul3A_83 : i32
      %multiple_of3A_85 = tpu.assume_multiple %add3A_84, 16 : i32
      %dma_start3A_86 = arith.constant 0 : i32
      %dma_start3A_87 = tpu.memref_slice %arg2[%multiple_of3A_85, %dma_start3A_86] : memref<32768x128xi32, #tpu.memory_space<hbm>> -> memref<16x128xi32, #tpu.memory_space<hbm>>
      %dma_start3A_88 = arith.constant 0 : i32
      %dma_start3A_89 = tpu.memref_slice %arg2[%multiple_of3A_85, %dma_start3A_88] : memref<32768x128xi32, #tpu.memory_space<hbm>> -> memref<16x128xi32, #tpu.memory_space<hbm>>
      tpu.enqueue_dma source(%dma_start3A_89 : memref<16x128xi32, #tpu.memory_space<hbm>>) target(%arg5 : memref<16x128xi32, #tpu.memory_space<vmem>>) target_semaphore(%arg10 : memref<!tpu.dma_semaphore, #tpu.memory_space<semaphore_mem>>)
      %mul3A_90 = arith.constant 2 : i32
      %mul3A_91 = arith.muli %scan3A_64, %mul3A_90 : i32
      %add3A_92 = arith.constant 1 : i32
      %add3A_93 = arith.addi %mul3A_91, %add3A_92 : i32
      %dma_wait3A_94 = arith.constant 0 : i32
      %dma_wait3A_95 = tpu.memref_slice %arg2[%multiple_of3A, %dma_wait3A_94] : memref<32768x128xi32, #tpu.memory_space<hbm>> -> memref<16x128xi32, #tpu.memory_space<hbm>>
      %dma_wait3A_96 = arith.constant 0 : i32
      %dma_wait3A_97 = tpu.memref_slice %arg2[%multiple_of3A, %dma_wait3A_96] : memref<32768x128xi32, #tpu.memory_space<hbm>> -> memref<16x128xi32, #tpu.memory_space<hbm>>
      tpu.wait_dma2 semaphore(%arg11 : memref<!tpu.dma_semaphore, #tpu.memory_space<semaphore_mem>>) src(%dma_wait3A_97 : memref<16x128xi32, #tpu.memory_space<hbm>>) dst(%arg6 : memref<16x128xi32, #tpu.memory_space<vmem>>)
      %scan3A_98 = arith.constant 0 : i32
      %scan3A_99 = arith.constant 0 : i32
      %scan3A_100 = arith.constant 4 : i32
      %scan3A_101 = arith.addi %scan3A_99, %scan3A_100 : i32
      %scan3A_102 = arith.constant 1 : i32
      scf.for %scan3A_116 = %scan3A_99 to %scan3A_101 step %scan3A_102  : i32 {
        %mul3A_117 = arith.constant 2 : i32
        %mul3A_118 = arith.muli %scan3A_116, %mul3A_117 : i32
        %add3A_119 = arith.constant 0 : i32
        %add3A_120 = arith.addi %mul3A_118, %add3A_119 : i32
        %mul3A_121 = arith.constant 8 : i32
        %mul3A_122 = arith.muli %add3A_93, %mul3A_121 : i32
        %add3A_123 = arith.addi %mul3A_122, %add3A_120 : i32
        %mul3A_124 = arith.constant 256 : i32
        %mul3A_125 = arith.muli %add3A_123, %mul3A_124 : i32
        %add3A_126 = arith.addi %mul3A_2, %mul3A_125 : i32
        %jit3A_127 = arith.constant 2048 : i32
        %div3A_128 = arith.divsi %add3A_126, %jit3A_127 : i32
        %sign3A_129 = arith.constant 0 : i32
        %sign3A_130 = arith.cmpi sgt, %add3A_126, %sign3A_129 : i32
        %sign3A_131 = arith.extui %sign3A_130 : i1 to i32
        %sign3A_132 = arith.constant 0 : i32
        %sign3A_133 = arith.cmpi slt, %add3A_126, %sign3A_132 : i32
        %sign3A_134 = arith.extui %sign3A_133 : i1 to i32
        %sign3A_135 = arith.subi %sign3A_131, %sign3A_134 : i32
        %sign3A_136 = arith.constant 0 : i32
        %sign3A_137 = arith.cmpi sgt, %jit3A_127, %sign3A_136 : i32
        %sign3A_138 = arith.extui %sign3A_137 : i1 to i32
        %sign3A_139 = arith.constant 0 : i32
        %sign3A_140 = arith.cmpi slt, %jit3A_127, %sign3A_139 : i32
        %sign3A_141 = arith.extui %sign3A_140 : i1 to i32
        %sign3A_142 = arith.subi %sign3A_138, %sign3A_141 : i32
        %ne3A_143 = arith.cmpi ne, %sign3A_135, %sign3A_142 : i32
        %rem3A_144 = arith.remsi %add3A_126, %jit3A_127 : i32
        %ne3A_145 = arith.constant 0 : i32
        %ne3A_146 = arith.cmpi ne, %rem3A_144, %ne3A_145 : i32
        %and3A_147 = arith.andi %ne3A_143, %ne3A_146 : i1
        %sub3A_148 = arith.constant 1 : i32
        %sub3A_149 = arith.subi %div3A_128, %sub3A_148 : i32
        %select_n3A_150 = arith.select %and3A_147, %sub3A_149, %div3A_128 : i32
        %jit3A_151 = arith.constant 2048 : i32
        %eq3A_152 = arith.constant 0 : i32
        %eq3A_153 = arith.cmpi eq, %jit3A_151, %eq3A_152 : i32
        %jit3A_154 = arith.constant 1 : i32
        %select_n3A_155 = arith.select %eq3A_153, %jit3A_154, %jit3A_151 : i32
        %rem3A_156 = arith.remsi %add3A_126, %select_n3A_155 : i32
        %ne3A_157 = arith.constant 0 : i32
        %ne3A_158 = arith.cmpi ne, %rem3A_156, %ne3A_157 : i32
        %lt3A = arith.constant 0 : i32
        %lt3A_159 = arith.cmpi slt, %rem3A_156, %lt3A : i32
        %lt3A_160 = arith.constant 0 : i32
        %lt3A_161 = arith.cmpi slt, %select_n3A_155, %lt3A_160 : i32
        %ne3A_162 = arith.xori %lt3A_159, %lt3A_161 : i1
        %and3A_163 = arith.andi %ne3A_162, %ne3A_158 : i1
        %add3A_164 = arith.addi %rem3A_156, %select_n3A_155 : i32
        %select_n3A_165 = arith.select %and3A_163, %add3A_164, %rem3A_156 : i32
        %multiple_of3A_166 = tpu.assume_multiple %select_n3A_165, 256 : i32
        %mul3A_167 = arith.constant 2 : i32
        %mul3A_168 = arith.muli %add3A_120, %mul3A_167 : i32
        %ge3A = arith.constant 2 : i32
        %ge3A_169 = arith.cmpi sge, %add3A_123, %ge3A : i32
        %convert_element_type3A_170 = arith.extui %ge3A_169 : i1 to i32
        %cond3A_171 = arith.constant 0 : i32
        %cond3A_172 = arith.cmpi ne, %convert_element_type3A_170, %cond3A_171 : i32
        scf.if %cond3A_172 {
          %dma_wait3A_331 = arith.constant 0 : i32
          %dma_wait3A_332 = arith.constant 0 : i32
          %dma_wait3A_333 = arith.constant 0 : i32
          %dma_wait3A_334 = tpu.memref_slice %arg4[%dma_wait3A_331, %dma_wait3A_332, %dma_wait3A_333] : memref<2048x2048x128xf32, #tpu.memory_space<hbm>> -> memref<1x256x128xf32, #tpu.memory_space<hbm>>
          %dma_wait3A_335 = tpu.memref_squeeze %dma_wait3A_334 : memref<1x256x128xf32, #tpu.memory_space<hbm>> -> memref<256x128xf32, #tpu.memory_space<hbm>>
          %dma_wait3A_336 = arith.constant 0 : i32
          %dma_wait3A_337 = arith.constant 0 : i32
          %dma_wait3A_338 = tpu.memref_slice %arg4[%dma_wait3A_331, %dma_wait3A_336, %dma_wait3A_337] : memref<2048x2048x128xf32, #tpu.memory_space<hbm>> -> memref<1x256x128xf32, #tpu.memory_space<hbm>>
          %dma_wait3A_339 = tpu.memref_squeeze %dma_wait3A_338 : memref<1x256x128xf32, #tpu.memory_space<hbm>> -> memref<256x128xf32, #tpu.memory_space<hbm>>
          tpu.wait_dma2 semaphore(%arg14 : memref<!tpu.dma_semaphore, #tpu.memory_space<semaphore_mem>>) src(%arg7 : memref<256x128xf32, #tpu.memory_space<vmem>>) dst(%dma_wait3A_339 : memref<256x128xf32, #tpu.memory_space<hbm>>)
        } else {
        }
        %add3A_173 = arith.constant 0 : i32
        %add3A_174 = arith.addi %mul3A_168, %add3A_173 : i32
        %dma_start3A_175 = arith.constant 0 : i32
        %dma_start3A_176 = arith.constant 0 : i32
        %dma_start3A_177 = tpu.memref_slice %arg7[%dma_start3A_175, %dma_start3A_176] : memref<256x128xf32, #tpu.memory_space<vmem>> -> memref<128x128xf32, #tpu.memory_space<vmem>>
        %dma_start3A_178 = arith.constant 0 : i32
        %dma_start3A_179 = tpu.memref_slice %arg6[%add3A_174, %dma_start3A_178] : memref<16x128xi32, #tpu.memory_space<vmem>> -> memref<1x128xi32, #tpu.memory_space<vmem>>
        %dma_start3A_180 = tpu.memref_squeeze %dma_start3A_179 : memref<1x128xi32, #tpu.memory_space<vmem>> -> memref<128xi32, #tpu.memory_space<vmem>>
        %dma_start3A_181 = arith.constant 0 : i32
        %dma_start3A_182 = arith.constant 0 : i32
        %dma_start3A_183 = tpu.memref_slice %arg9[%dma_start3A_181, %dma_start3A_182] : memref<257x128xf32, #tpu.memory_space<vmem_shared>> -> memref<257x128xf32, #tpu.memory_space<vmem_shared>>
        tpu.enqueue_indirect_dma source(%dma_start3A_183 : memref<257x128xf32, #tpu.memory_space<vmem_shared>>) target(%dma_start3A_177 : memref<128x128xf32, #tpu.memory_space<vmem>>) offsets(%dma_start3A_180 : memref<128xi32, #tpu.memory_space<vmem>>) semaphore(%arg12 : memref<!tpu.dma_semaphore, #tpu.memory_space<semaphore_mem>>)
        %add3A_184 = arith.constant 1 : i32
        %add3A_185 = arith.addi %mul3A_168, %add3A_184 : i32
        %dma_start3A_186 = arith.constant 128 : i32
        %dma_start3A_187 = arith.constant 0 : i32
        %dma_start3A_188 = tpu.memref_slice %arg7[%dma_start3A_186, %dma_start3A_187] : memref<256x128xf32, #tpu.memory_space<vmem>> -> memref<128x128xf32, #tpu.memory_space<vmem>>
        %dma_start3A_189 = arith.constant 0 : i32
        %dma_start3A_190 = tpu.memref_slice %arg6[%add3A_185, %dma_start3A_189] : memref<16x128xi32, #tpu.memory_space<vmem>> -> memref<1x128xi32, #tpu.memory_space<vmem>>
        %dma_start3A_191 = tpu.memref_squeeze %dma_start3A_190 : memref<1x128xi32, #tpu.memory_space<vmem>> -> memref<128xi32, #tpu.memory_space<vmem>>
        %dma_start3A_192 = arith.constant 0 : i32
        %dma_start3A_193 = arith.constant 0 : i32
        %dma_start3A_194 = tpu.memref_slice %arg9[%dma_start3A_192, %dma_start3A_193] : memref<257x128xf32, #tpu.memory_space<vmem_shared>> -> memref<257x128xf32, #tpu.memory_space<vmem_shared>>
        tpu.enqueue_indirect_dma source(%dma_start3A_194 : memref<257x128xf32, #tpu.memory_space<vmem_shared>>) target(%dma_start3A_188 : memref<128x128xf32, #tpu.memory_space<vmem>>) offsets(%dma_start3A_191 : memref<128xi32, #tpu.memory_space<vmem>>) semaphore(%arg12 : memref<!tpu.dma_semaphore, #tpu.memory_space<semaphore_mem>>)
        %add3A_195 = arith.constant 0 : i32
        %add3A_196 = arith.addi %mul3A_168, %add3A_195 : i32
        %dma_wait3A_197 = arith.constant 0 : i32
        %dma_wait3A_198 = arith.constant 0 : i32
        %dma_wait3A_199 = tpu.memref_slice %arg7[%dma_wait3A_197, %dma_wait3A_198] : memref<256x128xf32, #tpu.memory_space<vmem>> -> memref<128x128xf32, #tpu.memory_space<vmem>>
        %dma_wait3A_200 = arith.constant 0 : i32
        %dma_wait3A_201 = tpu.memref_slice %arg6[%add3A_196, %dma_wait3A_200] : memref<16x128xi32, #tpu.memory_space<vmem>> -> memref<1x128xi32, #tpu.memory_space<vmem>>
        %dma_wait3A_202 = tpu.memref_squeeze %dma_wait3A_201 : memref<1x128xi32, #tpu.memory_space<vmem>> -> memref<128xi32, #tpu.memory_space<vmem>>
        %dma_wait3A_203 = arith.constant 0 : i32
        %dma_wait3A_204 = arith.constant 0 : i32
        %dma_wait3A_205 = tpu.memref_slice %arg9[%dma_wait3A_203, %dma_wait3A_204] : memref<257x128xf32, #tpu.memory_space<vmem_shared>> -> memref<257x128xf32, #tpu.memory_space<vmem_shared>>
        tpu.wait_indirect_dma semaphore(%arg12 : memref<!tpu.dma_semaphore, #tpu.memory_space<semaphore_mem>>) src(%dma_wait3A_205 : memref<257x128xf32, #tpu.memory_space<vmem_shared>>) dst(%dma_wait3A_199 : memref<128x128xf32, #tpu.memory_space<vmem>>)
        %add3A_206 = arith.constant 1 : i32
        %add3A_207 = arith.addi %mul3A_168, %add3A_206 : i32
        %dma_wait3A_208 = arith.constant 128 : i32
        %dma_wait3A_209 = arith.constant 0 : i32
        %dma_wait3A_210 = tpu.memref_slice %arg7[%dma_wait3A_208, %dma_wait3A_209] : memref<256x128xf32, #tpu.memory_space<vmem>> -> memref<128x128xf32, #tpu.memory_space<vmem>>
        %dma_wait3A_211 = arith.constant 0 : i32
        %dma_wait3A_212 = tpu.memref_slice %arg6[%add3A_207, %dma_wait3A_211] : memref<16x128xi32, #tpu.memory_space<vmem>> -> memref<1x128xi32, #tpu.memory_space<vmem>>
        %dma_wait3A_213 = tpu.memref_squeeze %dma_wait3A_212 : memref<1x128xi32, #tpu.memory_space<vmem>> -> memref<128xi32, #tpu.memory_space<vmem>>
        %dma_wait3A_214 = arith.constant 0 : i32
        %dma_wait3A_215 = arith.constant 0 : i32
        %dma_wait3A_216 = tpu.memref_slice %arg9[%dma_wait3A_214, %dma_wait3A_215] : memref<257x128xf32, #tpu.memory_space<vmem_shared>> -> memref<257x128xf32, #tpu.memory_space<vmem_shared>>
        tpu.wait_indirect_dma semaphore(%arg12 : memref<!tpu.dma_semaphore, #tpu.memory_space<semaphore_mem>>) src(%dma_wait3A_216 : memref<257x128xf32, #tpu.memory_space<vmem_shared>>) dst(%dma_wait3A_210 : memref<128x128xf32, #tpu.memory_space<vmem>>)
        %dma_start3A_217 = arith.constant 0 : i32
        %dma_start3A_218 = tpu.memref_slice %arg4[%select_n3A_150, %multiple_of3A_166, %dma_start3A_217] : memref<2048x2048x128xf32, #tpu.memory_space<hbm>> -> memref<1x256x128xf32, #tpu.memory_space<hbm>>
        %dma_start3A_219 = tpu.memref_squeeze %dma_start3A_218 : memref<1x256x128xf32, #tpu.memory_space<hbm>> -> memref<256x128xf32, #tpu.memory_space<hbm>>
        %dma_start3A_220 = arith.constant 0 : i32
        %dma_start3A_221 = tpu.memref_slice %arg4[%select_n3A_150, %multiple_of3A_166, %dma_start3A_220] : memref<2048x2048x128xf32, #tpu.memory_space<hbm>> -> memref<1x256x128xf32, #tpu.memory_space<hbm>>
        %dma_start3A_222 = tpu.memref_squeeze %dma_start3A_221 : memref<1x256x128xf32, #tpu.memory_space<hbm>> -> memref<256x128xf32, #tpu.memory_space<hbm>>
        tpu.enqueue_dma source(%arg7 : memref<256x128xf32, #tpu.memory_space<vmem>>) target(%dma_start3A_222 : memref<256x128xf32, #tpu.memory_space<hbm>>) target_semaphore(%arg14 : memref<!tpu.dma_semaphore, #tpu.memory_space<semaphore_mem>>)
        %mul3A_223 = arith.constant 2 : i32
        %mul3A_224 = arith.muli %scan3A_116, %mul3A_223 : i32
        %add3A_225 = arith.constant 1 : i32
        %add3A_226 = arith.addi %mul3A_224, %add3A_225 : i32
        %mul3A_227 = arith.constant 8 : i32
        %mul3A_228 = arith.muli %add3A_93, %mul3A_227 : i32
        %add3A_229 = arith.addi %mul3A_228, %add3A_226 : i32
        %mul3A_230 = arith.constant 256 : i32
        %mul3A_231 = arith.muli %add3A_229, %mul3A_230 : i32
        %add3A_232 = arith.addi %mul3A_2, %mul3A_231 : i32
        %jit3A_233 = arith.constant 2048 : i32
        %div3A_234 = arith.divsi %add3A_232, %jit3A_233 : i32
        %sign3A_235 = arith.constant 0 : i32
        %sign3A_236 = arith.cmpi sgt, %add3A_232, %sign3A_235 : i32
        %sign3A_237 = arith.extui %sign3A_236 : i1 to i32
        %sign3A_238 = arith.constant 0 : i32
        %sign3A_239 = arith.cmpi slt, %add3A_232, %sign3A_238 : i32
        %sign3A_240 = arith.extui %sign3A_239 : i1 to i32
        %sign3A_241 = arith.subi %sign3A_237, %sign3A_240 : i32
        %sign3A_242 = arith.constant 0 : i32
        %sign3A_243 = arith.cmpi sgt, %jit3A_233, %sign3A_242 : i32
        %sign3A_244 = arith.extui %sign3A_243 : i1 to i32
        %sign3A_245 = arith.constant 0 : i32
        %sign3A_246 = arith.cmpi slt, %jit3A_233, %sign3A_245 : i32
        %sign3A_247 = arith.extui %sign3A_246 : i1 to i32
        %sign3A_248 = arith.subi %sign3A_244, %sign3A_247 : i32
        %ne3A_249 = arith.cmpi ne, %sign3A_241, %sign3A_248 : i32
        %rem3A_250 = arith.remsi %add3A_232, %jit3A_233 : i32
        %ne3A_251 = arith.constant 0 : i32
        %ne3A_252 = arith.cmpi ne, %rem3A_250, %ne3A_251 : i32
        %and3A_253 = arith.andi %ne3A_249, %ne3A_252 : i1
        %sub3A_254 = arith.constant 1 : i32
        %sub3A_255 = arith.subi %div3A_234, %sub3A_254 : i32
        %select_n3A_256 = arith.select %and3A_253, %sub3A_255, %div3A_234 : i32
        %jit3A_257 = arith.constant 2048 : i32
        %eq3A_258 = arith.constant 0 : i32
        %eq3A_259 = arith.cmpi eq, %jit3A_257, %eq3A_258 : i32
        %jit3A_260 = arith.constant 1 : i32
        %select_n3A_261 = arith.select %eq3A_259, %jit3A_260, %jit3A_257 : i32
        %rem3A_262 = arith.remsi %add3A_232, %select_n3A_261 : i32
        %ne3A_263 = arith.constant 0 : i32
        %ne3A_264 = arith.cmpi ne, %rem3A_262, %ne3A_263 : i32
        %lt3A_265 = arith.constant 0 : i32
        %lt3A_266 = arith.cmpi slt, %rem3A_262, %lt3A_265 : i32
        %lt3A_267 = arith.constant 0 : i32
        %lt3A_268 = arith.cmpi slt, %select_n3A_261, %lt3A_267 : i32
        %ne3A_269 = arith.xori %lt3A_266, %lt3A_268 : i1
        %and3A_270 = arith.andi %ne3A_269, %ne3A_264 : i1
        %add3A_271 = arith.addi %rem3A_262, %select_n3A_261 : i32
        %select_n3A_272 = arith.select %and3A_270, %add3A_271, %rem3A_262 : i32
        %multiple_of3A_273 = tpu.assume_multiple %select_n3A_272, 256 : i32
        %mul3A_274 = arith.constant 2 : i32
        %mul3A_275 = arith.muli %add3A_226, %mul3A_274 : i32
        %ge3A_276 = arith.constant 2 : i32
        %ge3A_277 = arith.cmpi sge, %add3A_229, %ge3A_276 : i32
        %convert_element_type3A_278 = arith.extui %ge3A_277 : i1 to i32
        %cond3A_279 = arith.constant 0 : i32
        %cond3A_280 = arith.cmpi ne, %convert_element_type3A_278, %cond3A_279 : i32
        scf.if %cond3A_280 {
          %dma_wait3A_331 = arith.constant 0 : i32
          %dma_wait3A_332 = arith.constant 0 : i32
          %dma_wait3A_333 = arith.constant 0 : i32
          %dma_wait3A_334 = tpu.memref_slice %arg4[%dma_wait3A_331, %dma_wait3A_332, %dma_wait3A_333] : memref<2048x2048x128xf32, #tpu.memory_space<hbm>> -> memref<1x256x128xf32, #tpu.memory_space<hbm>>
          %dma_wait3A_335 = tpu.memref_squeeze %dma_wait3A_334 : memref<1x256x128xf32, #tpu.memory_space<hbm>> -> memref<256x128xf32, #tpu.memory_space<hbm>>
          %dma_wait3A_336 = arith.constant 0 : i32
          %dma_wait3A_337 = arith.constant 0 : i32
          %dma_wait3A_338 = tpu.memref_slice %arg4[%dma_wait3A_331, %dma_wait3A_336, %dma_wait3A_337] : memref<2048x2048x128xf32, #tpu.memory_space<hbm>> -> memref<1x256x128xf32, #tpu.memory_space<hbm>>
          %dma_wait3A_339 = tpu.memref_squeeze %dma_wait3A_338 : memref<1x256x128xf32, #tpu.memory_space<hbm>> -> memref<256x128xf32, #tpu.memory_space<hbm>>
          tpu.wait_dma2 semaphore(%arg15 : memref<!tpu.dma_semaphore, #tpu.memory_space<semaphore_mem>>) src(%arg8 : memref<256x128xf32, #tpu.memory_space<vmem>>) dst(%dma_wait3A_339 : memref<256x128xf32, #tpu.memory_space<hbm>>)
        } else {
        }
        %add3A_281 = arith.constant 0 : i32
        %add3A_282 = arith.addi %mul3A_275, %add3A_281 : i32
        %dma_start3A_283 = arith.constant 0 : i32
        %dma_start3A_284 = arith.constant 0 : i32
        %dma_start3A_285 = tpu.memref_slice %arg8[%dma_start3A_283, %dma_start3A_284] : memref<256x128xf32, #tpu.memory_space<vmem>> -> memref<128x128xf32, #tpu.memory_space<vmem>>
        %dma_start3A_286 = arith.constant 0 : i32
        %dma_start3A_287 = tpu.memref_slice %arg6[%add3A_282, %dma_start3A_286] : memref<16x128xi32, #tpu.memory_space<vmem>> -> memref<1x128xi32, #tpu.memory_space<vmem>>
        %dma_start3A_288 = tpu.memref_squeeze %dma_start3A_287 : memref<1x128xi32, #tpu.memory_space<vmem>> -> memref<128xi32, #tpu.memory_space<vmem>>
        %dma_start3A_289 = arith.constant 0 : i32
        %dma_start3A_290 = arith.constant 0 : i32
        %dma_start3A_291 = tpu.memref_slice %arg9[%dma_start3A_289, %dma_start3A_290] : memref<257x128xf32, #tpu.memory_space<vmem_shared>> -> memref<257x128xf32, #tpu.memory_space<vmem_shared>>
        tpu.enqueue_indirect_dma source(%dma_start3A_291 : memref<257x128xf32, #tpu.memory_space<vmem_shared>>) target(%dma_start3A_285 : memref<128x128xf32, #tpu.memory_space<vmem>>) offsets(%dma_start3A_288 : memref<128xi32, #tpu.memory_space<vmem>>) semaphore(%arg13 : memref<!tpu.dma_semaphore, #tpu.memory_space<semaphore_mem>>)
        %add3A_292 = arith.constant 1 : i32
        %add3A_293 = arith.addi %mul3A_275, %add3A_292 : i32
        %dma_start3A_294 = arith.constant 128 : i32
        %dma_start3A_295 = arith.constant 0 : i32
        %dma_start3A_296 = tpu.memref_slice %arg8[%dma_start3A_294, %dma_start3A_295] : memref<256x128xf32, #tpu.memory_space<vmem>> -> memref<128x128xf32, #tpu.memory_space<vmem>>
        %dma_start3A_297 = arith.constant 0 : i32
        %dma_start3A_298 = tpu.memref_slice %arg6[%add3A_293, %dma_start3A_297] : memref<16x128xi32, #tpu.memory_space<vmem>> -> memref<1x128xi32, #tpu.memory_space<vmem>>
        %dma_start3A_299 = tpu.memref_squeeze %dma_start3A_298 : memref<1x128xi32, #tpu.memory_space<vmem>> -> memref<128xi32, #tpu.memory_space<vmem>>
        %dma_start3A_300 = arith.constant 0 : i32
        %dma_start3A_301 = arith.constant 0 : i32
        %dma_start3A_302 = tpu.memref_slice %arg9[%dma_start3A_300, %dma_start3A_301] : memref<257x128xf32, #tpu.memory_space<vmem_shared>> -> memref<257x128xf32, #tpu.memory_space<vmem_shared>>
        tpu.enqueue_indirect_dma source(%dma_start3A_302 : memref<257x128xf32, #tpu.memory_space<vmem_shared>>) target(%dma_start3A_296 : memref<128x128xf32, #tpu.memory_space<vmem>>) offsets(%dma_start3A_299 : memref<128xi32, #tpu.memory_space<vmem>>) semaphore(%arg13 : memref<!tpu.dma_semaphore, #tpu.memory_space<semaphore_mem>>)
        %add3A_303 = arith.constant 0 : i32
        %add3A_304 = arith.addi %mul3A_275, %add3A_303 : i32
        %dma_wait3A_305 = arith.constant 0 : i32
        %dma_wait3A_306 = arith.constant 0 : i32
        %dma_wait3A_307 = tpu.memref_slice %arg8[%dma_wait3A_305, %dma_wait3A_306] : memref<256x128xf32, #tpu.memory_space<vmem>> -> memref<128x128xf32, #tpu.memory_space<vmem>>
        %dma_wait3A_308 = arith.constant 0 : i32
        %dma_wait3A_309 = tpu.memref_slice %arg6[%add3A_304, %dma_wait3A_308] : memref<16x128xi32, #tpu.memory_space<vmem>> -> memref<1x128xi32, #tpu.memory_space<vmem>>
        %dma_wait3A_310 = tpu.memref_squeeze %dma_wait3A_309 : memref<1x128xi32, #tpu.memory_space<vmem>> -> memref<128xi32, #tpu.memory_space<vmem>>
        %dma_wait3A_311 = arith.constant 0 : i32
        %dma_wait3A_312 = arith.constant 0 : i32
        %dma_wait3A_313 = tpu.memref_slice %arg9[%dma_wait3A_311, %dma_wait3A_312] : memref<257x128xf32, #tpu.memory_space<vmem_shared>> -> memref<257x128xf32, #tpu.memory_space<vmem_shared>>
        tpu.wait_indirect_dma semaphore(%arg13 : memref<!tpu.dma_semaphore, #tpu.memory_space<semaphore_mem>>) src(%dma_wait3A_313 : memref<257x128xf32, #tpu.memory_space<vmem_shared>>) dst(%dma_wait3A_307 : memref<128x128xf32, #tpu.memory_space<vmem>>)
        %add3A_314 = arith.constant 1 : i32
        %add3A_315 = arith.addi %mul3A_275, %add3A_314 : i32
        %dma_wait3A_316 = arith.constant 128 : i32
        %dma_wait3A_317 = arith.constant 0 : i32
        %dma_wait3A_318 = tpu.memref_slice %arg8[%dma_wait3A_316, %dma_wait3A_317] : memref<256x128xf32, #tpu.memory_space<vmem>> -> memref<128x128xf32, #tpu.memory_space<vmem>>
        %dma_wait3A_319 = arith.constant 0 : i32
        %dma_wait3A_320 = tpu.memref_slice %arg6[%add3A_315, %dma_wait3A_319] : memref<16x128xi32, #tpu.memory_space<vmem>> -> memref<1x128xi32, #tpu.memory_space<vmem>>
        %dma_wait3A_321 = tpu.memref_squeeze %dma_wait3A_320 : memref<1x128xi32, #tpu.memory_space<vmem>> -> memref<128xi32, #tpu.memory_space<vmem>>
        %dma_wait3A_322 = arith.constant 0 : i32
        %dma_wait3A_323 = arith.constant 0 : i32
        %dma_wait3A_324 = tpu.memref_slice %arg9[%dma_wait3A_322, %dma_wait3A_323] : memref<257x128xf32, #tpu.memory_space<vmem_shared>> -> memref<257x128xf32, #tpu.memory_space<vmem_shared>>
        tpu.wait_indirect_dma semaphore(%arg13 : memref<!tpu.dma_semaphore, #tpu.memory_space<semaphore_mem>>) src(%dma_wait3A_324 : memref<257x128xf32, #tpu.memory_space<vmem_shared>>) dst(%dma_wait3A_318 : memref<128x128xf32, #tpu.memory_space<vmem>>)
        %dma_start3A_325 = arith.constant 0 : i32
        %dma_start3A_326 = tpu.memref_slice %arg4[%select_n3A_256, %multiple_of3A_273, %dma_start3A_325] : memref<2048x2048x128xf32, #tpu.memory_space<hbm>> -> memref<1x256x128xf32, #tpu.memory_space<hbm>>
        %dma_start3A_327 = tpu.memref_squeeze %dma_start3A_326 : memref<1x256x128xf32, #tpu.memory_space<hbm>> -> memref<256x128xf32, #tpu.memory_space<hbm>>
        %dma_start3A_328 = arith.constant 0 : i32
        %dma_start3A_329 = tpu.memref_slice %arg4[%select_n3A_256, %multiple_of3A_273, %dma_start3A_328] : memref<2048x2048x128xf32, #tpu.memory_space<hbm>> -> memref<1x256x128xf32, #tpu.memory_space<hbm>>
        %dma_start3A_330 = tpu.memref_squeeze %dma_start3A_329 : memref<1x256x128xf32, #tpu.memory_space<hbm>> -> memref<256x128xf32, #tpu.memory_space<hbm>>
        tpu.enqueue_dma source(%arg8 : memref<256x128xf32, #tpu.memory_space<vmem>>) target(%dma_start3A_330 : memref<256x128xf32, #tpu.memory_space<hbm>>) target_semaphore(%arg15 : memref<!tpu.dma_semaphore, #tpu.memory_space<semaphore_mem>>)
      }
      %scan3A_103 = arith.constant 4 : i32
      %add3A_104 = arith.constant 2 : i32
      %add3A_105 = arith.addi %add3A_93, %add3A_104 : i32
      %min3A_106 = arith.constant 63 : i32
      %min3A_107 = arith.minsi %add3A_105, %min3A_106 : i32
      %mul3A_108 = arith.constant 16 : i32
      %mul3A_109 = arith.muli %min3A_107, %mul3A_108 : i32
      %add3A_110 = arith.addi %multiple_of3A, %mul3A_109 : i32
      %multiple_of3A_111 = tpu.assume_multiple %add3A_110, 16 : i32
      %dma_start3A_112 = arith.constant 0 : i32
      %dma_start3A_113 = tpu.memref_slice %arg2[%multiple_of3A_111, %dma_start3A_112] : memref<32768x128xi32, #tpu.memory_space<hbm>> -> memref<16x128xi32, #tpu.memory_space<hbm>>
      %dma_start3A_114 = arith.constant 0 : i32
      %dma_start3A_115 = tpu.memref_slice %arg2[%multiple_of3A_111, %dma_start3A_114] : memref<32768x128xi32, #tpu.memory_space<hbm>> -> memref<16x128xi32, #tpu.memory_space<hbm>>
      tpu.enqueue_dma source(%dma_start3A_115 : memref<16x128xi32, #tpu.memory_space<hbm>>) target(%arg6 : memref<16x128xi32, #tpu.memory_space<vmem>>) target_semaphore(%arg11 : memref<!tpu.dma_semaphore, #tpu.memory_space<semaphore_mem>>)
    }
    %scan3A_38 = arith.constant 32 : i32
    %dma_wait3A = arith.constant 0 : i32
    %dma_wait3A_39 = tpu.memref_slice %arg2[%multiple_of3A, %dma_wait3A] : memref<32768x128xi32, #tpu.memory_space<hbm>> -> memref<16x128xi32, #tpu.memory_space<hbm>>
    %dma_wait3A_40 = arith.constant 0 : i32
    %dma_wait3A_41 = tpu.memref_slice %arg2[%multiple_of3A, %dma_wait3A_40] : memref<32768x128xi32, #tpu.memory_space<hbm>> -> memref<16x128xi32, #tpu.memory_space<hbm>>
    tpu.wait_dma2 semaphore(%arg10 : memref<!tpu.dma_semaphore, #tpu.memory_space<semaphore_mem>>) src(%dma_wait3A_41 : memref<16x128xi32, #tpu.memory_space<hbm>>) dst(%arg5 : memref<16x128xi32, #tpu.memory_space<vmem>>)
    %dma_wait3A_42 = arith.constant 0 : i32
    %dma_wait3A_43 = arith.constant 0 : i32
    %dma_wait3A_44 = arith.constant 0 : i32
    %dma_wait3A_45 = tpu.memref_slice %arg4[%dma_wait3A_42, %dma_wait3A_43, %dma_wait3A_44] : memref<2048x2048x128xf32, #tpu.memory_space<hbm>> -> memref<1x256x128xf32, #tpu.memory_space<hbm>>
    %dma_wait3A_46 = tpu.memref_squeeze %dma_wait3A_45 : memref<1x256x128xf32, #tpu.memory_space<hbm>> -> memref<256x128xf32, #tpu.memory_space<hbm>>
    %dma_wait3A_47 = arith.constant 0 : i32
    %dma_wait3A_48 = arith.constant 0 : i32
    %dma_wait3A_49 = tpu.memref_slice %arg4[%dma_wait3A_42, %dma_wait3A_47, %dma_wait3A_48] : memref<2048x2048x128xf32, #tpu.memory_space<hbm>> -> memref<1x256x128xf32, #tpu.memory_space<hbm>>
    %dma_wait3A_50 = tpu.memref_squeeze %dma_wait3A_49 : memref<1x256x128xf32, #tpu.memory_space<hbm>> -> memref<256x128xf32, #tpu.memory_space<hbm>>
    tpu.wait_dma2 semaphore(%arg14 : memref<!tpu.dma_semaphore, #tpu.memory_space<semaphore_mem>>) src(%arg7 : memref<256x128xf32, #tpu.memory_space<vmem>>) dst(%dma_wait3A_50 : memref<256x128xf32, #tpu.memory_space<hbm>>)
    %dma_wait3A_51 = arith.constant 0 : i32
    %dma_wait3A_52 = tpu.memref_slice %arg2[%multiple_of3A, %dma_wait3A_51] : memref<32768x128xi32, #tpu.memory_space<hbm>> -> memref<16x128xi32, #tpu.memory_space<hbm>>
    %dma_wait3A_53 = arith.constant 0 : i32
    %dma_wait3A_54 = tpu.memref_slice %arg2[%multiple_of3A, %dma_wait3A_53] : memref<32768x128xi32, #tpu.memory_space<hbm>> -> memref<16x128xi32, #tpu.memory_space<hbm>>
    tpu.wait_dma2 semaphore(%arg11 : memref<!tpu.dma_semaphore, #tpu.memory_space<semaphore_mem>>) src(%dma_wait3A_54 : memref<16x128xi32, #tpu.memory_space<hbm>>) dst(%arg6 : memref<16x128xi32, #tpu.memory_space<vmem>>)
    %dma_wait3A_55 = arith.constant 0 : i32
    %dma_wait3A_56 = arith.constant 0 : i32
    %dma_wait3A_57 = arith.constant 0 : i32
    %dma_wait3A_58 = tpu.memref_slice %arg4[%dma_wait3A_55, %dma_wait3A_56, %dma_wait3A_57] : memref<2048x2048x128xf32, #tpu.memory_space<hbm>> -> memref<1x256x128xf32, #tpu.memory_space<hbm>>
    %dma_wait3A_59 = tpu.memref_squeeze %dma_wait3A_58 : memref<1x256x128xf32, #tpu.memory_space<hbm>> -> memref<256x128xf32, #tpu.memory_space<hbm>>
    %dma_wait3A_60 = arith.constant 0 : i32
    %dma_wait3A_61 = arith.constant 0 : i32
    %dma_wait3A_62 = tpu.memref_slice %arg4[%dma_wait3A_55, %dma_wait3A_60, %dma_wait3A_61] : memref<2048x2048x128xf32, #tpu.memory_space<hbm>> -> memref<1x256x128xf32, #tpu.memory_space<hbm>>
    %dma_wait3A_63 = tpu.memref_squeeze %dma_wait3A_62 : memref<1x256x128xf32, #tpu.memory_space<hbm>> -> memref<256x128xf32, #tpu.memory_space<hbm>>
    tpu.wait_dma2 semaphore(%arg15 : memref<!tpu.dma_semaphore, #tpu.memory_space<semaphore_mem>>) src(%arg8 : memref<256x128xf32, #tpu.memory_space<vmem>>) dst(%dma_wait3A_63 : memref<256x128xf32, #tpu.memory_space<hbm>>)
    return
  }
}

</mosaic_0001>

<sc_bundles>
// kernel: kernel.3.cloned.1.call-start
scs
__scs_entry_jumppad:
0x0: {  	(pc) =	sbr.rel $0x88, $3  }
0x1: {  	(tag) =	ssettag $0x0;
	lr =	simm.s32 $0x1  }
0x2: {  	[smem:$0x3F9F] =	sst lr;
	_ =	strace $0xD0000000  }
0x3: {  	_ = 	snop  }
0x4: {  	_ = 	snop  }
0x5: {  	_ = 	snop  }
0x6: {  	_ = 	snop  }
0x7: {  	_ = 	snop  }
__scs_overlays_trampoline_lowered:
0x8: {  	[smem:$0x3FAE] =	sst s0  }
0x9: {  	[smem:$0x3FAF] =	sst s1  }
0xa: {  	[smem:$0x3FB0] =	sst s2  }
0xb: {  	[smem:$0x3FB1] =	sst s3  }
0xc: {  	[smem:$0x3FB2] =	sst s4  }
0xd: {  	[smem:$0x3FB3] =	sst s5  }
0xe: {  	[smem:$0x3FB4] =	sst s6  }
0xf: {  	[smem:$0x3FB5] =	sst s7  }
0x10: {  	[smem:$0x3FB6] =	sst s8  }
0x11: {  	[smem:$0x3FB7] =	sst s9;
	s0 =	simm.s32 @!p0 $0x0  }
0x12: {  	s1 =	sld [smem:$0x3F9D];
	s0 =	simm.s32 @p0 $0x1  }
0x13: {  	[smem:$0x3FB8] =	sst s0;
	s0 =	simm.s32 @!p1 $0x0  }
0x14: {  	s2 =	sld [smem:$0x3F9C];
	s0 =	simm.s32 @p1 $0x1  }
0x15: {  	[smem:$0x3FB9] =	sst s0;
	s0 =	simm.s32 @!p2 $0x0  }
0x16: {  	s3 =	sld [smem:$0x3FDB];
	s0 =	simm.s32 @p2 $0x1  }
0x17: {  	s4 =	simm.s32 $0x1BF5;
	[smem:$0x3FBB] =	sst s0  }
0x18: {  	s0 =	sld [smem:$0x3F9E];
	_ =	swait.ge [sflag:s4], $0x0  }
0x19: {  	s7 =	sld [smem:$0x3F9F]  }
0x1a: {  	s8 =	sadd.s32 $0xFFFFE003, lr  }
0x1b: {  	s9 =	sadd.s32 $0xFFFFFEF7, lr;
	s5 =	simm.s32 $0xFFFFFFFF;
	p2 =	slt.u32 s8, $0xFFFFF086  }
0x1c: {  	p1 =	slt.u32 s9, $0xF7A;
	s5 =	simm.s32 @!p2 $0x0  }
0x1d: {  	s5 =	simm.s32 @p1 $0x1;
	p0 =	seq.s32 s7, s2  }
0x1e: {  	s7 =	smul.u32 @!p0 $0xF7A, s2;
	p2 =	seq.s32 @!p0 s5, $0x0  }
0x1f: {  	s9 =	smul.u32 $0xF7A, s1;
	s8 =	simm.s32 @!p0 $0x1BF5;
	p2 =	por !p2, p0  }
0x20: {  	[sflag:s8] =	ssyncset.s32 @!p0 $0xFFFFF086;
	s6 =	sadd.s32 @!p0 s3, s7;
	s7 =	simm.s32 @!p0 $0x108  }
0x21: {  	s3 =	sadd.s32 s3, s9;
	s6 =	sadd.s32 @!p0 $0x88, s6;
	s7 =	simm.s32 @p2 $0x1082  }
0x22: {  	[simem:s7], [sflag:s8] =	dma.local @!p0 [hbm:s6], $0xF7A  }
0x23: {  	s9 =	sor.u32 $0xD0000000, s2;
	s6 =	simm.s32 $0x108;
	_ =	swait.ge @!p0 [sflag:s8], $0x0  }
0x24: {  	s3 =	sadd.s32 $0x88, s3;
	s6 =	simm.s32 @!p1 $0x1082;
	[sflag:s4] =	ssyncset.s32 $0xFFFFF086  }
0x25: {  	[simem:s6], [sflag:s4] =	dma.local [hbm:s3], $0xF7A  }
0x26: {  	[smem:$0x3F9F] =	sst s1;
	(tag) =	ssettag s2;
	_ =	strace s9  }
0x27: {  	s1 =	sld [smem:$0x3FAF]  }
0x28: {  	s2 =	sld [smem:$0x3FB0]  }
0x29: {  	s4 =	sld [smem:$0x3FB2]  }
0x2a: {  	p0 =	seq.s32 s5, $0x0;
	s5 =	sld [smem:$0x3FB3]  }
0x2b: {  	s6 =	sld [smem:$0x3FB4]  }
0x2c: {  	s7 =	sld [smem:$0x3FB5]  }
0x2d: {  	s3 =	simm.s32 $0x108;
	s8 =	sld [smem:$0x3FB6]  }
0x2e: {  	s3 =	simm.s32 @!p0 $0x1082;
	s9 =	sld [smem:$0x3FB7]  }
0x2f: {  	lr =	sadd.s32 s0, s3;
	s0 =	sld [smem:$0x3FAE]  }
0x30: {  	s3 =	sld [smem:$0x3FB1]  }
0x31: {  	[smem:$0x3FBA] =	sst s10  }
0x32: {  	s10 =	sld [smem:$0x3FB8];
	_ =	sdelay $0x3  }
0x33: {  	p0 =	seq.s32 s10, $0x1;
	s10 =	sld [smem:$0x3FBA];
	_ =	sdelay $0x3  }
0x34: {  	[smem:$0x3FBA] =	sst s10  }
0x35: {  	s10 =	sld [smem:$0x3FB9];
	_ =	sdelay $0x3  }
0x36: {  	p1 =	seq.s32 s10, $0x1;
	s10 =	sld [smem:$0x3FBA];
	_ =	sdelay $0x3  }
0x37: {  	[smem:$0x3FBA] =	sst s10  }
0x38: {  	s10 =	sld [smem:$0x3FBB]  }
0x39: {  	_ = 	snop;
	(pc) =	sbr.ind lr, $3  }
0x3a: {  	_ = 	snop  }
0x3b: {  	_ = 	snop  }
0x3c: {  	p2 =	seq.s32 s10, $0x1;
	s10 =	sld [smem:$0x3FBA]  }
0x3d: {  	_ =	shalt  }
0x3e: {  	_ =	shalt  }
0x3f: {  	_ =	shalt  }
0x40: {  	_ =	shalt  }
0x41: {  	_ =	shalt  }
0x42: {  	_ =	shalt  }
0x43: {  	_ =	shalt  }
0x44: {  	_ =	shalt  }
0x45: {  	_ =	shalt  }
0x46: {  	_ =	shalt  }
0x47: {  	_ =	shalt  }
0x48: {  	_ =	shalt  }
0x49: {  	_ =	shalt  }
0x4a: {  	_ =	shalt  }
0x4b: {  	_ =	shalt  }
0x4c: {  	_ =	shalt  }
0x4d: {  	_ =	shalt  }
0x4e: {  	_ =	shalt  }
0x4f: {  	_ =	shalt  }
0x50: {  	_ =	shalt  }
0x51: {  	_ =	shalt  }
0x52: {  	_ =	shalt  }
0x53: {  	_ =	shalt  }
0x54: {  	_ =	shalt  }
0x55: {  	_ =	shalt  }
0x56: {  	_ =	shalt  }
0x57: {  	_ =	shalt  }
0x58: {  	_ =	shalt  }
0x59: {  	_ =	shalt  }
0x5a: {  	_ =	shalt  }
0x5b: {  	_ =	shalt  }
0x5c: {  	_ =	shalt  }
0x5d: {  	_ =	shalt  }
0x5e: {  	_ =	shalt  }
0x5f: {  	_ =	shalt  }
0x60: {  	_ =	shalt  }
0x61: {  	_ =	shalt  }
0x62: {  	_ =	shalt  }
0x63: {  	_ =	shalt  }
0x64: {  	_ =	shalt  }
0x65: {  	_ =	shalt  }
0x66: {  	_ =	shalt  }
0x67: {  	_ =	shalt  }
0x68: {  	_ =	shalt  }
0x69: {  	_ =	shalt  }
0x6a: {  	_ =	shalt  }
0x6b: {  	_ =	shalt  }
0x6c: {  	_ =	shalt  }
0x6d: {  	_ =	shalt  }
0x6e: {  	_ =	shalt  }
0x6f: {  	_ =	shalt  }
0x70: {  	_ =	shalt  }
0x71: {  	_ =	shalt  }
0x72: {  	_ =	shalt  }
0x73: {  	_ =	shalt  }
0x74: {  	_ =	shalt  }
0x75: {  	_ =	shalt  }
0x76: {  	_ =	shalt  }
0x77: {  	_ =	shalt  }
0x78: {  	_ =	shalt  }
0x79: {  	_ =	shalt  }
0x7a: {  	_ =	shalt  }
0x7b: {  	_ =	shalt  }
0x7c: {  	_ =	shalt  }
0x7d: {  	_ =	shalt  }
0x7e: {  	_ =	shalt  }
0x7f: {  	_ =	shalt  }
0x80: {  	_ =	shalt  }
0x81: {  	_ =	shalt  }
0x82: {  	_ =	shalt  }
0x83: {  	_ =	shalt  }
0x84: {  	_ =	shalt  }
0x85: {  	_ =	shalt  }
0x86: {  	_ =	shalt  }
0x87: {  	_ =	shalt  }
.Lfunc_end0:
.L_simem_size_0:
called_computation.1_lowered:
.L_overlay_start_0:
0x88: {  	s2 =	sld [smem:$0x3FD9]  }
0x89: {  	s3 =	sld [smem:$0x3FFE];
	_ =	sdelay $0x1  }
0x8a: {  	s1 =	srdreg.scid  }
0x8b: {  	s0 =	sand.u32 $0x1, s1  }
0x8c: {  	s17 =	sshll.u32 s0, $0xA;
	s2 =	sadd.s32 s3, s2  }
0x8d: {  	s2 =	sadd.s32 s2, s17  }
0x8e: {  	[smem:$0x3FC6] =	sst s2  }
0x8f: {  	_ = 	snop  }
0x90: {  	s2 =	sld [smem:$0x3FD0];
	(tm) =	ssettm $0x1  }
0x91: {  	s18 =	sld [smem:$0x3FFB];
	_ =	sdelay $0x3  }
0x92: {  	_ =	strace s18  }
0x93: {  	s3 =	sld [smem:$0x3FFC];
	_ =	sdelay $0x3  }
0x94: {  	_ =	strace s3  }
0x95: {  	s3 =	sld [smem:$0x3FFD];
	_ =	sdelay $0x3  }
0x96: {  	_ =	strace s3  }
0x97: {  	_ =	strace $0x8FFFFFFF  }
0x98: {  	s19 =	sld [smem:$0x3FDB];
	_ =	sdelay $0x1  }
0x99: {  	s4 =	simm.s32 $_scs_section_size  }
0x9a: {  	s5 =	simm.s32 $_size__tile_overlayer_lowered;
	s6 =	simm.s32 $_tile_overlayer_lowered  }
0x9b: {  	s22 =	simm.s32 $0x1BFF;
	s21 =	sshll.u32 s6, $0x1;
	s3 =	sadd.s32 s4, s19  }
0x9c: {  	s7 =	simm.s32 $0x0;
	s20 =	sshll.u32 s5, $0x1;
	s5 =	sadd.s32 s21, s3  }
0x9d: {  	[timem:s7], [sflag:s22] =	dma.local [hbm:s5], s20  }
0x9e: {  	_ =	swait.ge [sflag:s22], s20  }
0x9f: {  	s4 =	ssub.s32 $0x0, s20;
	[sflag:s22] =	ssyncset.done $0x0  }
0xa0: {  	[sflag:s22] =	ssyncadd.s32 s4;
	_ =	sdelay $0x1  }
0xa1: {  	s23 =	simm.s32 $0x1B8B  }
0xa2: {  	_ =	swait.ge [sflag:s23], $0x1  }
0xa3: {  	[sflag:s23] =	ssyncset.done $0x0  }
0xa4: {  	s25 =	simm.s32 $0x1B8E;
	s24 =	sld [smem:$0x3FFE];
	[sflag:s23] =	ssyncadd.s32 $0xFFFFFFFF  }
0xa5: {  	s26 =	simm.s32 $execute0_lowered;
	[smem:$0x3FD2] =	sst s25  }
0xa6: {  	s5 =	sshll.u32 s26, $0x1;
	_ =	strace $0x80000046;
	[dreg:$0x1] =	wrdreg $0xFFFFFFFF  }
0xa7: {  	s28 =	simm.s32 $_size_execute0_lowered;
	s3 =	sadd.s32 s3, s5;
	[dreg:$0x0] =	wrdreg $0x0  }
0xa8: {  	s5 =	sshll.u32 s28, $0x1;
	[dreg:$0x2] =	wrdreg s3  }
0xa9: {  	[dreg:$0x3] =	wrdreg s5  }
0xaa: {  	[dreg:$0x4] =	wrdreg $0xC0  }
0xab: {  	_ =	task [dreg:s7], $0x5FFFF  }
0xac: {  	[dreg:$0x1] =	wrdreg $0xFFFFFFFF  }
0xad: {  	[dreg:$0x0] =	wrdreg $0x60  }
0xae: {  	[dreg:$0x2] =	wrdreg s2  }
0xaf: {  	[dreg:$0x3] =	wrdreg s24  }
0xb0: {  	[dreg:$0x4] =	wrdreg $0x110000  }
0xb1: {  	[dreg:$0x5] =	wrdreg $0x9  }
0xb2: {  	_ =	task.clear_ibuf [dreg:s7], $0x6FFFF;
	_ =	strace $0x90000046  }
0xb3: {  	s29 =	simm.s32 $0x9;
	_ =	strace $0x80000048  }
0xb4: {  	_ =	swait.ge [sflag:s29], $0x1  }
0xb5: {  	[sflag:s29] =	ssyncadd.s32 $0xFFFFFFFF  }
0xb6: {  	_ =	strace $0x90000048  }
0xb7: {  	_ =	sfence  }
0xb8: {  	s30 =	sld [smem:$0x0];
	_ =	sdelay $0x2  }
0xb9: {  	s31 =	sshll.u32 s1, $0xD;
	s1 =	sshrl.u32 s1, $0x2  }
0xba: {  	s3 =	sand.u32 $0x4000, s31;
	s1 =	sadd.s32 s1, s30  }
0xbb: {  	s0 =	sor.u32 s3, s0;
	s1 =	sshll.u32 s1, $0x11  }
0xbc: {  	s0 =	sor.u32 s1, s0  }
0xbd: {  	s0 =	sadd.s32 $0x8F2B, s0  }
0xbe: {  	[sflag:s0] =	ssyncadd.remote.s32 $0x1  }
0xbf: {  	_ =	sfence.sel $0xFFFF  }
0xc0: {  	[dreg:$0x0] =	wrdreg $0xFFFFFFFF;
	(pc) =	sbr.abs _section_cstart, $3  }
0xc1: {  	[dreg:$0x1] =	wrdreg $0xFFFFFFFF  }
0xc2: {  	_ =	task.clear_ibuf [dreg:s7], $0x2FFFF;
	_ =	strace $0x9FFFFFFF  }
0xc3: {  	(tm) =	ssettm $0x7FFFFFFF  }
tec
execute0_lowered:
.L_overlay_start_1:
0x0: {  	(tag) =	ssettag $0x1  }
0x1: {  	s8 =	rddreg [dreg:$0x0]  }
0x2: {  	s0 =	rddreg [dreg:$0x1]  }
0x3: {  	s2 =	rddreg [dreg:$0x2];
	s3 =	simm.s32 $0x0  }
0x4: {  	s1 =	srdreg.scid;
	s4 =	stileid.u32;
	s17 =	simm.s32 $0x800  }
0x5: {  	s18 =	simm.s32 $0x1;
	s19 =	simm.s32 $0x80;
	s20 =	simm.s32 $0x1000  }
0x6: {  	s28 =	simm.s32 $0x5;
	s30 =	simm.s32 $0x6;
	[smem:$0x7FF] =	sst s3  }
0x7: {  	s1 =	sand.u32 $0x1, s1;
	s5 =	sshll.u32 s4, $0x12;
	s7 =	sadd.s32 $0x800, s0  }
0x8: {  	s29 =	sshll.u32 s4, $0x16;
	s13 =	sshll.u32 s4, $0x14;
	p0 =	sne.s32 s4, $0x0  }
0x9: {  	_ =	strace $0x80000047;
	s6 =	sshll.u32 s1, $0x11;
	[dreg:$0x5] =	wrdreg s7  }
0xa: {  	s21 =	ssub.s32 $0x2, s1;
	s31 =	sshll.u32 s1, $0x15;
	s1 =	sshll.u32 s1, $0x13  }
0xb: {  	s9 =	sor.u32 s6, s5;
	s6 =	sadd.s32 $0x1A00, s0;
	s22 =	sshrl.u32 s21, $0x1  }
0xc: {  	[dreg:$0xd] =	wrdreg s1;
	s1 =	simm.s32 $0x0;
	s5 =	sshrl.u32 s9, $0x3  }
0xd: {  	s0 =	ssub.s32 s21, s22;
	s25 =	sor.u32 $0x1000, s9;
	[dreg:$0x6] =	wrdreg s9  }
0xe: {  	s24 =	sshll.u32 s9, $0x4;
	s26 =	sor.u32 $0x1800, s9;
	[dreg:$0xa] =	wrdreg s25  }
0xf: {  	s21 =	simm.s32 $0x5000;
	s23 =	sadd.s32 s8, s5;
	[dreg:$0xb] =	wrdreg s26  }
0x10: {  	s22 =	simm.s32 $0x3;
	s0 =	smax.u32 s0, $0x1;
	[dreg:$0x7] =	wrdreg s23  }
0x11: {  	s5 =	sadd.s32 s6, s24;
	[dreg:$0xc] =	wrdreg s0;
	s0 =	sadd.s32 s29, s6  }
0x12: {  	s7 =	sadd.s32 $0x100, s23;
	[dreg:$0x9] =	wrdreg s5;
	s0 =	sadd.s32 s31, s0  }
0x13: {  	s24 =	simm.s32 $0xD000;
	[dreg:$0x8] =	wrdreg s7;
	s0 =	sadd.s32 $0x1000, s0  }
0x14: {  	s25 =	simm.s32 $0x4;
	[dreg:$0xe] =	wrdreg s0;
	s0 =	sshrl.u32 @!p0 s2, $0x3  }
0x15: {  	s26 =	simm.s32 $0x2;
	s23 =	simm.s32 $0x9000;
	[dreg:$0xf] =	wrdreg s0  }
.LBB2_1:
0x16: {  	[dreg:$0x10] =	wrdreg s1  }
0x17: {  	s1 =	rddreg [dreg:$0x5]  }
0x18: {  	s0 =	simm.s32 @!p0 $0x1C07;
	s4 =	rddreg [dreg:$0xf]  }
0x19: {  	[spmem:s4], [sflag:s0] =	dma.local @!p0 [hbm:s1], $0x1010  }
0x1a: {  	s0 =	simm.s32 @!p0 $0x7  }
0x1b: {  	_ =	swait.ge @!p0 [sflag:s0], $0x1010  }
0x1c: {  	[sflag:s0] =	ssyncset.done @!p0 $0x0  }
0x1d: {  	[sflag:s0] =	ssyncadd.s32 @!p0 $0xFFFFEFF0  }
0x1e: {  	[bflag:$0x0] =	sbarrier.arrive $0xFFFF  }
0x1f: {  	s29 =	rddreg [dreg:$0x7]  }
0x20: {  	s31 =	rddreg [dreg:$0x8]  }
0x21: {  	s1 =	rddreg [dreg:$0xe]  }
0x22: {  	s12 =	rddreg [dreg:$0xd]  }
0x23: {  	[tilespmem:s3], [sflag:$0x1] =	stream.linear.gather [hbm4b:s29+s3], $0x800, $0x38;
	[tilespmem:$0x11808] =	vst v63  }
0x24: {  	s16 =	simm.s32 $0x0;
	s14 =	simm.s32 $0x0;
	s7 =	rddreg [dreg:$0x6]  }
0x25: {  	[tilespmem:s17], [sflag:$0x2] =	stream.linear.gather [hbm4b:s31+s3], $0x800, $0x38;
	[tilespmem:$0x11808] =	vst v63  }
.LBB2_2:
0x26: {  	_ =	swait.ge [sflag:s18], $0x800;
	s0 =	sadd.s32 s12, s13  }
0x27: {  	p1 =	seq.s32 s16, $0x0;
	[dreg:$0x4] =	wrdreg s0;
	[sflag:s18] =	ssyncset.done $0x0  }
0x28: {  	s4 =	simm.s32 @!p1 $0x5;
	s0 =	rddreg [dreg:$0x4];
	[sflag:s18] =	ssyncadd.s32 $0xFFFFF800  }
0x29: {  	s0 =	sadd.s32 $0x0, s0;
	_ =	swait.ge @!p1 [sflag:s4], $0x8000  }
0x2a: {  	p3 =	por $0x0, $0x0;
	p2 =	seq.s32 s0, $0x0;
	[sflag:s4] =	ssyncset.done @!p1 $0x0  }
0x2b: {  	s8 =	simm.s32 $0x0;
	[sflag:s4] =	ssyncadd.s32 @!p1 $0xFFFF8000;
	p2 =	por !p2, !p3  }
0x2c: {  	[tilespmem:s20], [sflag:$0x3] =	stream.indirect.gather [spmem:s2], $0x80, s8, s19, $0xb8;
	[tilespmem:$0x11808] =	vst v63  }
0x2d: {  	s9 =	simm.s32 $0x80;
	s0 =	simm.s32 $0xFFFFFFFF;
	p2 =	por !p2, !p2  }
0x2e: {  	[tilespmem:s21], [sflag:$0x3] =	stream.indirect.gather [spmem:s2], $0x80, s9, s19, $0xb8;
	[tilespmem:$0x11808] =	vst v63  }
0x2f: {  	s10 =	sshrl.u32 s7, $0xB;
	s0 =	simm.s32 @!p2 $0x0;
	_ =	swait.ge [sflag:s22], $0x4000  }
0x30: {  	s0 =	sadd.s32 s0, s10;
	[sflag:s22] =	ssyncset.done $0x0  }
0x31: {  	s0 =	sshll.u32 s0, $0x12;
	[sflag:s22] =	ssyncadd.s32 $0xFFFFC000  }
0x32: {  	s0 =	sadd.s32 $0x0, s0;
	_ =	swait.ge [sflag:s22], $0x4000  }
0x33: {  	s0 =	sshrl.u32 s0, $0x3;
	[sflag:s22] =	ssyncset.done $0x0  }
0x34: {  	s4 =	simm.s32 @!p1 $0x6;
	s0 =	sadd.s32 s6, s0;
	[sflag:s22] =	ssyncadd.s32 $0xFFFFC000  }
0x35: {  	[hbm4b:s0+s3] =	stream.linear.scatter [tilespmem:s20], [sflag:$0x5], $0x8000, $0x38;
	[tilespmem:$0x11808] =	vst v63  }
0x36: {  	_ =	swait.ge @!p1 [sflag:s4], $0x8000  }
0x37: {  	[sflag:s4] =	ssyncset.done @!p1 $0x0  }
0x38: {  	s11 =	simm.s32 $0x100;
	[sflag:s4] =	ssyncadd.s32 @!p1 $0xFFFF8000  }
0x39: {  	[tilespmem:s23], [sflag:$0x4] =	stream.indirect.gather [spmem:s2], $0x80, s11, s19, $0xb8;
	[tilespmem:$0x11808] =	vst v63  }
0x3a: {  	s15 =	simm.s32 $0x180  }
0x3b: {  	[tilespmem:s24], [sflag:$0x4] =	stream.indirect.gather [spmem:s2], $0x80, s15, s19, $0xb8;
	[tilespmem:$0x11808] =	vst v63  }
0x3c: {  	s5 =	sadd.s32 $0x2000, s1;
	_ =	swait.ge [sflag:s25], $0x4000  }
0x3d: {  	s29 =	simm.s32 $0x10000;
	s31 =	sadd.s32 $0x200, s7;
	[sflag:s25] =	ssyncset.done $0x0  }
0x3e: {  	s8 =	smov.u32 s1;
	s0 =	simm.s32 $0x800;
	[sflag:s25] =	ssyncadd.s32 $0xFFFFC000  }
0x3f: {  	s4 =	simm.s32 $0x1000;
	p1 =	seq.s32 s16, $0x800;
	_ =	swait.ge [sflag:s25], $0x4000  }
0x40: {  	s15 =	sshll.u32 s14, $0x10;
	s9 =	rddreg [dreg:$0x4];
	[sflag:s25] =	ssyncset.done $0x0  }
.LBB2_3:
0x41: {  	s10 =	simm.s32 @!p1 $0x5;
	[sflag:s25] =	ssyncadd.s32 $0xFFFFC000  }
0x42: {  	[hbm4b:s8+s3] =	stream.linear.scatter [tilespmem:s23], [sflag:$0x6], $0x8000, $0x38;
	[tilespmem:$0x11808] =	vst v63  }
0x43: {  	_ =	swait.ge @!p1 [sflag:s10], $0x8000  }
0x44: {  	s9 =	sadd.s32 s0, s9;
	p4 =	sne.s32 s0, $0x0;
	[sflag:s10] =	ssyncset.done @!p1 $0x0  }
0x45: {  	p3 =	seq.s32 s9, $0x0;
	s9 =	sshra.s32 s0, $0x2;
	[sflag:s10] =	ssyncadd.s32 @!p1 $0xFFFF8000  }
0x46: {  	[tilespmem:s20], [sflag:$0x3] =	stream.indirect.gather [spmem:s2], $0x80, s9, s19, $0xb8;
	[tilespmem:$0x11808] =	vst v63  }
0x47: {  	s11 =	smov.u32 s4;
	p3 =	por !p3, !p4;
	s10 =	sadd.s32 $0x80, s9  }
0x48: {  	[tilespmem:s21], [sflag:$0x3] =	stream.indirect.gather [spmem:s2], $0x80, s10, s19, $0xb8;
	[tilespmem:$0x11808] =	vst v63  }
0x49: {  	s0 =	smov.u32 s11;
	p3 =	por !p3, !p3;
	s10 =	simm.s32 $0xFFFFFFFF  }
0x4a: {  	s11 =	sshrl.u32 s31, $0xB;
	s10 =	simm.s32 @!p3 $0x0;
	_ =	swait.ge [sflag:s22], $0x4000  }
0x4b: {  	[sflag:s22] =	ssyncset.done $0x0;
	s10 =	sadd.s32 s10, s11  }
0x4c: {  	[sflag:s22] =	ssyncadd.s32 $0xFFFFC000;
	s10 =	sshll.u32 s10, $0x12  }
0x4d: {  	_ =	swait.ge [sflag:s22], $0x4000;
	s10 =	sadd.s32 s10, s29  }
0x4e: {  	[sflag:s22] =	ssyncset.done $0x0;
	s10 =	sshrl.u32 s10, $0x3  }
0x4f: {  	s11 =	simm.s32 @!p1 $0x6;
	[sflag:s22] =	ssyncadd.s32 $0xFFFFC000;
	s10 =	sadd.s32 s6, s10  }
0x50: {  	[hbm4b:s10+s3] =	stream.linear.scatter [tilespmem:s20], [sflag:$0x5], $0x8000, $0x38;
	[tilespmem:$0x11808] =	vst v63  }
0x51: {  	_ =	swait.ge @!p1 [sflag:s11], $0x8000  }
0x52: {  	[sflag:s11] =	ssyncset.done @!p1 $0x0  }
0x53: {  	s4 =	sadd.s32 $0x800, s4;
	[sflag:s11] =	ssyncadd.s32 @!p1 $0xFFFF8000;
	s11 =	sadd.s32 $0x100, s9  }
0x54: {  	[tilespmem:s23], [sflag:$0x4] =	stream.indirect.gather [spmem:s2], $0x80, s11, s19, $0xb8;
	[tilespmem:$0x11808] =	vst v63  }
0x55: {  	p2 =	sne.s32 s4, $0x2000;
	s9 =	sadd.s32 $0x180, s9  }
0x56: {  	[tilespmem:s24], [sflag:$0x4] =	stream.indirect.gather [spmem:s2], $0x80, s9, s19, $0xb8;
	[tilespmem:$0x11808] =	vst v63  }
.Ltmp0:
0x57: {  	_ =	swait.ge [sflag:s25], $0x4000;
	(pc) =	sbr.rel @p2 .LBB2_3-.Ltmp0, $4  }
0x58: {  	[sflag:s25] =	ssyncset.done $0x0  }
0x59: {  	s8 =	smov.u32 s5;
	s5 =	sadd.s32 $0x2000, s5;
	[sflag:s25] =	ssyncadd.s32 $0xFFFFC000  }
0x5a: {  	s31 =	sadd.s32 $0x200, s31;
	s29 =	sadd.s32 $0x10000, s29;
	_ =	swait.ge [sflag:s25], $0x4000  }
0x5b: {  	p1 =	seq.s32 s16, s0;
	s9 =	rddreg [dreg:$0x4];
	[sflag:s25] =	ssyncset.done $0x0  }
0x5c: {  	[sflag:s25] =	ssyncadd.s32 $0xFFFFC000;
	s4 =	simm.s32 @!p1 $0x5  }
0x5d: {  	[hbm4b:s8+s3] =	stream.linear.scatter [tilespmem:s23], [sflag:$0x6], $0x8000, $0x38;
	[tilespmem:$0x11808] =	vst v63  }
0x5e: {  	s11 =	sadd.s32 s0, s9;
	_ =	swait.ge @!p1 [sflag:s4], $0x8000  }
0x5f: {  	p3 =	sne.s32 s0, $0x0;
	p2 =	seq.s32 s11, $0x0;
	[sflag:s4] =	ssyncset.done @!p1 $0x0  }
0x60: {  	s0 =	sshra.s32 s0, $0x2;
	p2 =	por !p2, !p3;
	[sflag:s4] =	ssyncadd.s32 @!p1 $0xFFFF8000  }
0x61: {  	[tilespmem:s20], [sflag:$0x3] =	stream.indirect.gather [spmem:s2], $0x80, s0, s19, $0xb8;
	[tilespmem:$0x11808] =	vst v63  }
0x62: {  	s9 =	sadd.s32 $0x80, s0;
	p2 =	por !p2, !p2;
	s4 =	simm.s32 $0xFFFFFFFF  }
0x63: {  	[tilespmem:s21], [sflag:$0x3] =	stream.indirect.gather [spmem:s2], $0x80, s9, s19, $0xb8;
	[tilespmem:$0x11808] =	vst v63  }
0x64: {  	s10 =	sshrl.u32 s31, $0xB;
	s4 =	simm.s32 @!p2 $0x0;
	_ =	swait.ge [sflag:s22], $0x4000  }
0x65: {  	s4 =	sadd.s32 s4, s10;
	[sflag:s22] =	ssyncset.done $0x0  }
0x66: {  	s4 =	sshll.u32 s4, $0x12;
	[sflag:s22] =	ssyncadd.s32 $0xFFFFC000  }
0x67: {  	s4 =	sadd.s32 s4, s29;
	_ =	swait.ge [sflag:s22], $0x4000  }
0x68: {  	s4 =	sshrl.u32 s4, $0x3;
	[sflag:s22] =	ssyncset.done $0x0  }
0x69: {  	s4 =	sadd.s32 s6, s4;
	[sflag:s22] =	ssyncadd.s32 $0xFFFFC000  }
0x6a: {  	[hbm4b:s4+s3] =	stream.linear.scatter [tilespmem:s20], [sflag:$0x5], $0x8000, $0x38;
	[tilespmem:$0x11808] =	vst v63  }
0x6b: {  	s4 =	simm.s32 @!p1 $0x6  }
0x6c: {  	_ =	swait.ge @!p1 [sflag:s4], $0x8000  }
0x6d: {  	[sflag:s4] =	ssyncset.done @!p1 $0x0  }
0x6e: {  	s11 =	sadd.s32 $0x100, s0;
	[sflag:s4] =	ssyncadd.s32 @!p1 $0xFFFF8000  }
0x6f: {  	[tilespmem:s23], [sflag:$0x4] =	stream.indirect.gather [spmem:s2], $0x80, s11, s19, $0xb8;
	[tilespmem:$0x11808] =	vst v63  }
0x70: {  	s0 =	sadd.s32 $0x180, s0  }
0x71: {  	[tilespmem:s24], [sflag:$0x4] =	stream.indirect.gather [spmem:s2], $0x80, s0, s19, $0xb8;
	[tilespmem:$0x11808] =	vst v63  }
0x72: {  	_ =	swait.ge [sflag:s25], $0x4000  }
0x73: {  	[sflag:s25] =	ssyncset.done $0x0  }
0x74: {  	[sflag:s25] =	ssyncadd.s32 $0xFFFFC000  }
0x75: {  	_ =	swait.ge [sflag:s25], $0x4000  }
0x76: {  	[sflag:s25] =	ssyncset.done $0x0  }
0x77: {  	[sflag:s25] =	ssyncadd.s32 $0xFFFFC000  }
0x78: {  	[hbm4b:s5+s3] =	stream.linear.scatter [tilespmem:s23], [sflag:$0x6], $0x8000, $0x38;
	[tilespmem:$0x11808] =	vst v63  }
0x79: {  	s5 =	sshll.u32 s14, $0x1  }
0x7a: {  	s29 =	smin.u32 s5, $0x3D  }
0x7b: {  	s31 =	rddreg [dreg:$0xa];
	s0 =	sshll.u32 s29, $0xB  }
0x7c: {  	s0 =	sadd.s32 s0, s31  }
0x7d: {  	s8 =	rddreg [dreg:$0x0];
	s0 =	sshrl.u32 s0, $0x3  }
0x7e: {  	s0 =	sadd.s32 s8, s0  }
0x7f: {  	[tilespmem:s3], [sflag:$0x1] =	stream.linear.gather [hbm4b:s0+s3], $0x800, $0x38;
	[tilespmem:$0x11808] =	vst v63  }
0x80: {  	_ =	swait.ge [sflag:s26], $0x800  }
0x81: {  	[sflag:s26] =	ssyncset.done $0x0  }
0x82: {  	[sflag:s26] =	ssyncadd.s32 $0xFFFFF800  }
0x83: {  	_ =	swait.ge [sflag:s28], $0x8000  }
0x84: {  	[sflag:s28] =	ssyncset.done $0x0  }
0x85: {  	[sflag:s28] =	ssyncadd.s32 $0xFFFF8000  }
0x86: {  	[tilespmem:s20], [sflag:$0x3] =	stream.indirect.gather [spmem:s2], $0x80, s17, s19, $0xb8;
	[tilespmem:$0x11808] =	vst v63  }
0x87: {  	s4 =	simm.s32 $0x880  }
0x88: {  	[tilespmem:s21], [sflag:$0x3] =	stream.indirect.gather [spmem:s2], $0x80, s4, s19, $0xb8;
	[tilespmem:$0x11808] =	vst v63  }
0x89: {  	_ =	swait.ge [sflag:s22], $0x4000  }
0x8a: {  	[sflag:s22] =	ssyncset.done $0x0  }
0x8b: {  	[sflag:s22] =	ssyncadd.s32 $0xFFFFC000  }
0x8c: {  	_ =	swait.ge [sflag:s22], $0x4000  }
0x8d: {  	s9 =	rddreg [dreg:$0x9]  }
0x8e: {  	[sflag:s22] =	ssyncset.done $0x0;
	s0 =	sadd.s32 s15, s9  }
0x8f: {  	[sflag:s22] =	ssyncadd.s32 $0xFFFFC000;
	s10 =	sadd.s32 $0x8000, s0  }
0x90: {  	[hbm4b:s10+s3] =	stream.linear.scatter [tilespmem:s20], [sflag:$0x5], $0x8000, $0x38;
	[tilespmem:$0x11808] =	vst v63  }
0x91: {  	_ =	swait.ge [sflag:s30], $0x8000  }
0x92: {  	[sflag:s30] =	ssyncset.done $0x0  }
0x93: {  	s11 =	simm.s32 $0x900;
	[sflag:s30] =	ssyncadd.s32 $0xFFFF8000  }
0x94: {  	[tilespmem:s23], [sflag:$0x4] =	stream.indirect.gather [spmem:s2], $0x80, s11, s19, $0xb8;
	[tilespmem:$0x11808] =	vst v63  }
0x95: {  	s15 =	simm.s32 $0x980  }
0x96: {  	[tilespmem:s24], [sflag:$0x4] =	stream.indirect.gather [spmem:s2], $0x80, s15, s19, $0xb8;
	[tilespmem:$0x11808] =	vst v63  }
0x97: {  	_ =	swait.ge [sflag:s25], $0x4000  }
0x98: {  	[sflag:s25] =	ssyncset.done $0x0  }
0x99: {  	[sflag:s25] =	ssyncadd.s32 $0xFFFFC000  }
0x9a: {  	_ =	swait.ge [sflag:s25], $0x4000  }
0x9b: {  	[sflag:s25] =	ssyncset.done $0x0  }
0x9c: {  	s29 =	sadd.s32 $0x9000, s0;
	[sflag:s25] =	ssyncadd.s32 $0xFFFFC000  }
0x9d: {  	[hbm4b:s29+s3] =	stream.linear.scatter [tilespmem:s23], [sflag:$0x6], $0x8000, $0x38;
	[tilespmem:$0x11808] =	vst v63  }
0x9e: {  	_ =	swait.ge [sflag:s28], $0x8000  }
0x9f: {  	[sflag:s28] =	ssyncset.done $0x0  }
0xa0: {  	s31 =	simm.s32 $0xA00;
	[sflag:s28] =	ssyncadd.s32 $0xFFFF8000  }
0xa1: {  	[tilespmem:s20], [sflag:$0x3] =	stream.indirect.gather [spmem:s2], $0x80, s31, s19, $0xb8;
	[tilespmem:$0x11808] =	vst v63  }
0xa2: {  	s9 =	simm.s32 $0xA80  }
0xa3: {  	[tilespmem:s21], [sflag:$0x3] =	stream.indirect.gather [spmem:s2], $0x80, s9, s19, $0xb8;
	[tilespmem:$0x11808] =	vst v63  }
0xa4: {  	_ =	swait.ge [sflag:s22], $0x4000  }
0xa5: {  	[sflag:s22] =	ssyncset.done $0x0  }
0xa6: {  	[sflag:s22] =	ssyncadd.s32 $0xFFFFC000  }
0xa7: {  	_ =	swait.ge [sflag:s22], $0x4000  }
0xa8: {  	[sflag:s22] =	ssyncset.done $0x0  }
0xa9: {  	s10 =	sadd.s32 $0xA000, s0;
	[sflag:s22] =	ssyncadd.s32 $0xFFFFC000  }
0xaa: {  	[hbm4b:s10+s3] =	stream.linear.scatter [tilespmem:s20], [sflag:$0x5], $0x8000, $0x38;
	[tilespmem:$0x11808] =	vst v63  }
0xab: {  	_ =	swait.ge [sflag:s30], $0x8000  }
0xac: {  	[sflag:s30] =	ssyncset.done $0x0  }
0xad: {  	s11 =	simm.s32 $0xB00;
	[sflag:s30] =	ssyncadd.s32 $0xFFFF8000  }
0xae: {  	[tilespmem:s23], [sflag:$0x4] =	stream.indirect.gather [spmem:s2], $0x80, s11, s19, $0xb8;
	[tilespmem:$0x11808] =	vst v63  }
0xaf: {  	s15 =	simm.s32 $0xB80  }
0xb0: {  	[tilespmem:s24], [sflag:$0x4] =	stream.indirect.gather [spmem:s2], $0x80, s15, s19, $0xb8;
	[tilespmem:$0x11808] =	vst v63  }
0xb1: {  	_ =	swait.ge [sflag:s25], $0x4000  }
0xb2: {  	[sflag:s25] =	ssyncset.done $0x0  }
0xb3: {  	[sflag:s25] =	ssyncadd.s32 $0xFFFFC000  }
0xb4: {  	_ =	swait.ge [sflag:s25], $0x4000  }
0xb5: {  	[sflag:s25] =	ssyncset.done $0x0  }
0xb6: {  	s29 =	sadd.s32 $0xB000, s0;
	[sflag:s25] =	ssyncadd.s32 $0xFFFFC000  }
0xb7: {  	[hbm4b:s29+s3] =	stream.linear.scatter [tilespmem:s23], [sflag:$0x6], $0x8000, $0x38;
	[tilespmem:$0x11808] =	vst v63  }
0xb8: {  	_ =	swait.ge [sflag:s28], $0x8000  }
0xb9: {  	[sflag:s28] =	ssyncset.done $0x0  }
0xba: {  	s31 =	simm.s32 $0xC00;
	[sflag:s28] =	ssyncadd.s32 $0xFFFF8000  }
0xbb: {  	[tilespmem:s20], [sflag:$0x3] =	stream.indirect.gather [spmem:s2], $0x80, s31, s19, $0xb8;
	[tilespmem:$0x11808] =	vst v63  }
0xbc: {  	s9 =	simm.s32 $0xC80  }
0xbd: {  	[tilespmem:s21], [sflag:$0x3] =	stream.indirect.gather [spmem:s2], $0x80, s9, s19, $0xb8;
	[tilespmem:$0x11808] =	vst v63  }
0xbe: {  	_ =	swait.ge [sflag:s22], $0x4000  }
0xbf: {  	[sflag:s22] =	ssyncset.done $0x0  }
0xc0: {  	[sflag:s22] =	ssyncadd.s32 $0xFFFFC000  }
0xc1: {  	_ =	swait.ge [sflag:s22], $0x4000  }
0xc2: {  	[sflag:s22] =	ssyncset.done $0x0  }
0xc3: {  	s10 =	sadd.s32 $0xC000, s0;
	[sflag:s22] =	ssyncadd.s32 $0xFFFFC000  }
0xc4: {  	[hbm4b:s10+s3] =	stream.linear.scatter [tilespmem:s20], [sflag:$0x5], $0x8000, $0x38;
	[tilespmem:$0x11808] =	vst v63  }
0xc5: {  	_ =	swait.ge [sflag:s30], $0x8000  }
0xc6: {  	[sflag:s30] =	ssyncset.done $0x0  }
0xc7: {  	s11 =	simm.s32 $0xD00;
	[sflag:s30] =	ssyncadd.s32 $0xFFFF8000  }
0xc8: {  	[tilespmem:s23], [sflag:$0x4] =	stream.indirect.gather [spmem:s2], $0x80, s11, s19, $0xb8;
	[tilespmem:$0x11808] =	vst v63  }
0xc9: {  	s15 =	simm.s32 $0xD80  }
0xca: {  	[tilespmem:s24], [sflag:$0x4] =	stream.indirect.gather [spmem:s2], $0x80, s15, s19, $0xb8;
	[tilespmem:$0x11808] =	vst v63  }
0xcb: {  	_ =	swait.ge [sflag:s25], $0x4000  }
0xcc: {  	[sflag:s25] =	ssyncset.done $0x0  }
0xcd: {  	[sflag:s25] =	ssyncadd.s32 $0xFFFFC000  }
0xce: {  	_ =	swait.ge [sflag:s25], $0x4000  }
0xcf: {  	[sflag:s25] =	ssyncset.done $0x0  }
0xd0: {  	s29 =	sadd.s32 $0xD000, s0;
	[sflag:s25] =	ssyncadd.s32 $0xFFFFC000  }
0xd1: {  	[hbm4b:s29+s3] =	stream.linear.scatter [tilespmem:s23], [sflag:$0x6], $0x8000, $0x38;
	[tilespmem:$0x11808] =	vst v63  }
0xd2: {  	_ =	swait.ge [sflag:s28], $0x8000  }
0xd3: {  	[sflag:s28] =	ssyncset.done $0x0  }
0xd4: {  	s31 =	simm.s32 $0xE00;
	[sflag:s28] =	ssyncadd.s32 $0xFFFF8000  }
0xd5: {  	[tilespmem:s20], [sflag:$0x3] =	stream.indirect.gather [spmem:s2], $0x80, s31, s19, $0xb8;
	[tilespmem:$0x11808] =	vst v63  }
0xd6: {  	s9 =	simm.s32 $0xE80  }
0xd7: {  	[tilespmem:s21], [sflag:$0x3] =	stream.indirect.gather [spmem:s2], $0x80, s9, s19, $0xb8;
	[tilespmem:$0x11808] =	vst v63  }
0xd8: {  	_ =	swait.ge [sflag:s22], $0x4000  }
0xd9: {  	[sflag:s22] =	ssyncset.done $0x0  }
0xda: {  	[sflag:s22] =	ssyncadd.s32 $0xFFFFC000  }
0xdb: {  	_ =	swait.ge [sflag:s22], $0x4000  }
0xdc: {  	[sflag:s22] =	ssyncset.done $0x0  }
0xdd: {  	s10 =	sadd.s32 $0xE000, s0;
	[sflag:s22] =	ssyncadd.s32 $0xFFFFC000  }
0xde: {  	[hbm4b:s10+s3] =	stream.linear.scatter [tilespmem:s20], [sflag:$0x5], $0x8000, $0x38;
	[tilespmem:$0x11808] =	vst v63  }
0xdf: {  	_ =	swait.ge [sflag:s30], $0x8000  }
0xe0: {  	[sflag:s30] =	ssyncset.done $0x0  }
0xe1: {  	s11 =	simm.s32 $0xF00;
	[sflag:s30] =	ssyncadd.s32 $0xFFFF8000  }
0xe2: {  	[tilespmem:s23], [sflag:$0x4] =	stream.indirect.gather [spmem:s2], $0x80, s11, s19, $0xb8;
	[tilespmem:$0x11808] =	vst v63  }
0xe3: {  	s15 =	simm.s32 $0xF80  }
0xe4: {  	[tilespmem:s24], [sflag:$0x4] =	stream.indirect.gather [spmem:s2], $0x80, s15, s19, $0xb8;
	[tilespmem:$0x11808] =	vst v63  }
0xe5: {  	_ =	swait.ge [sflag:s25], $0x4000  }
0xe6: {  	[sflag:s25] =	ssyncset.done $0x0  }
0xe7: {  	[sflag:s25] =	ssyncadd.s32 $0xFFFFC000  }
0xe8: {  	s14 =	sadd.s32 $0x1, s14;
	_ =	swait.ge [sflag:s25], $0x4000  }
0xe9: {  	p1 =	sne.s32 s14, $0x20;
	[sflag:s25] =	ssyncset.done $0x0  }
0xea: {  	s0 =	sadd.s32 $0xF000, s0;
	s29 =	smin.u32 s5, $0x3C;
	[sflag:s25] =	ssyncadd.s32 $0xFFFFC000  }
0xeb: {  	[hbm4b:s0+s3] =	stream.linear.scatter [tilespmem:s23], [sflag:$0x6], $0x8000, $0x38;
	[tilespmem:$0x11808] =	vst v63  }
.Ltmp1:
0xec: {  	s31 =	rddreg [dreg:$0xb];
	s0 =	sshll.u32 s29, $0xB;
	(pc) =	sbr.rel @p1 .LBB2_2-.Ltmp1, $4  }
0xed: {  	s0 =	sadd.s32 s0, s31  }
0xee: {  	s16 =	sadd.s32 $0xFFFFC000, s16;
	s7 =	sadd.s32 $0x1000, s7;
	s0 =	sshrl.u32 s0, $0x3  }
0xef: {  	s12 =	sadd.s32 $0x4000, s12;
	s1 =	sadd.s32 $0x10000, s1;
	s0 =	sadd.s32 s8, s0  }
0xf0: {  	[tilespmem:s17], [sflag:$0x2] =	stream.linear.gather [hbm4b:s0+s3], $0x800, $0x38;
	[tilespmem:$0x11808] =	vst v63  }
0xf1: {  	_ =	swait.ge [sflag:s18], $0x800  }
0xf2: {  	[sflag:s18] =	ssyncset.done $0x0  }
0xf3: {  	[sflag:s18] =	ssyncadd.s32 $0xFFFFF800  }
0xf4: {  	_ =	swait.ge [sflag:s28], $0x8000  }
0xf5: {  	[sflag:s28] =	ssyncset.done $0x0  }
0xf6: {  	[sflag:s28] =	ssyncadd.s32 $0xFFFF8000  }
0xf7: {  	_ =	swait.ge [sflag:s26], $0x800  }
0xf8: {  	[sflag:s26] =	ssyncset.done $0x0  }
0xf9: {  	[sflag:s26] =	ssyncadd.s32 $0xFFFFF800  }
0xfa: {  	_ =	swait.ge [sflag:s30], $0x8000  }
0xfb: {  	s1 =	rddreg [dreg:$0x10]  }
0xfc: {  	s0 =	rddreg [dreg:$0xc];
	s1 =	sadd.s32 $0x1, s1  }
0xfd: {  	p1 =	sne.s32 s1, s0  }
.Ltmp2:
0xfe: {  	_ = 	snop;
	(pc) =	sbr.rel @p1 .LBB2_1-.Ltmp2, $3  }
0xff: {  	_ =	sdelay $0x1  }
0x100: {  	[sflag:s30] =	ssyncset.done $0x0  }
0x101: {  	[sflag:s30] =	ssyncadd.s32 $0xFFFF8000  }
0x102: {  	_ =	sfence.sel $0x180000  }
0x103: {  	[bflag:$0x0] =	sbarrier.arrive $0xFFFF  }
0x104: {  	_ =	strace $0x90000047  }
0x105: {  	[bflag:$0x2] =	sbarrier.arrive $0xFFFF  }
0x106: {  	s0 =	rddreg [dreg:$0x3]  }
0x107: {  	s0 =	sadd.s32 @!p0 $0x100000, s0  }
0x108: {  	[sflag:s0] =	ssyncadd.tile.s32 @!p0 $0x1;
	_ =	shalt  }
.Lfunc_end2:
_tile_overlayer_lowered:
.L_overlay_start_2:
0x109: {  	(tag) =	ssettag $0x2  }
0x10a: {  	s0 =	rddreg [dreg:$0x0];
	s2 =	stileid.u32  }
0x10b: {  	s1 =	rddreg [dreg:$0x1];
	p0 =	sne.s32 s2, $0x0  }
0x10c: {  	s3 =	rddreg [dreg:$0x2];
	[bflag:$0x3] =	sbarrier.arrive $0xFFFF;
	s2 =	simm.s32 @!p0 $0x1C07  }
0x10d: {  	[timem:s3], [sflag:s2] =	dma.local @!p0 [hbm:s0], s1  }
0x10e: {  	s0 =	simm.s32 @!p0 $0x7  }
0x10f: {  	_ =	swait.ge @!p0 [sflag:s0], s1  }
0x110: {  	s1 =	ssub.s32 @!p0 $0x0, s1;
	[sflag:s0] =	ssyncset.done @!p0 $0x0  }
0x111: {  	[sflag:s0] =	ssyncadd.s32 @!p0 s1  }
0x112: {  	[bflag:$0x3] =	sbarrier.arrive $0xFFFF  }
0x113: {  	_ =	shalt  }

// kernel: sparse-core-data-format-call.cloned.1.call-start
scs
called_computation_lowered:
.L_overlay_start_0:
0x0: {  	s2 =	sld [smem:$0x3FD9]  }
0x1: {  	s3 =	sld [smem:$0x3FFE];
	_ =	sdelay $0x1  }
0x2: {  	s1 =	srdreg.scid  }
0x3: {  	s0 =	sand.u32 $0x1, s1  }
0x4: {  	s18 =	sshll.u32 s0, $0xA;
	s2 =	sadd.s32 s3, s2  }
0x5: {  	s2 =	sadd.s32 s2, s18  }
0x6: {  	[smem:$0x3FC6] =	sst s2  }
0x7: {  	_ = 	snop  }
0x8: {  	s2 =	sld [smem:$0x3FD0];
	(tm) =	ssettm $0x1  }
0x9: {  	s19 =	sld [smem:$0x3FFB];
	_ =	sdelay $0x3  }
0xa: {  	_ =	strace s19  }
0xb: {  	s3 =	sld [smem:$0x3FFC];
	_ =	sdelay $0x3  }
0xc: {  	_ =	strace s3  }
0xd: {  	s3 =	sld [smem:$0x3FFD];
	_ =	sdelay $0x3  }
0xe: {  	_ =	strace s3  }
0xf: {  	_ =	strace $0x8FFFFFFF  }
0x10: {  	s20 =	sld [smem:$0x3FDB];
	_ =	sdelay $0x1  }
0x11: {  	s4 =	simm.s32 $_scs_section_size  }
0x12: {  	s5 =	simm.s32 $_size__tile_overlayer_lowered;
	s6 =	simm.s32 $_tile_overlayer_lowered  }
0x13: {  	s23 =	simm.s32 $0x1BFF;
	s22 =	sshll.u32 s6, $0x1;
	s3 =	sadd.s32 s4, s20  }
0x14: {  	s7 =	simm.s32 $0x0;
	s21 =	sshll.u32 s5, $0x1;
	s5 =	sadd.s32 s22, s3  }
0x15: {  	[timem:s7], [sflag:s23] =	dma.local [hbm:s5], s21  }
0x16: {  	_ =	swait.ge [sflag:s23], s21  }
0x17: {  	s4 =	ssub.s32 $0x0, s21;
	[sflag:s23] =	ssyncset.done $0x0  }
0x18: {  	[sflag:s23] =	ssyncadd.s32 s4;
	_ =	sdelay $0x1  }
0x19: {  	s24 =	simm.s32 $0x1B8B  }
0x1a: {  	_ =	swait.ge [sflag:s24], $0x1  }
0x1b: {  	[sflag:s24] =	ssyncset.done $0x0  }
0x1c: {  	s26 =	simm.s32 $0x1B8E;
	s25 =	sld [smem:$0x3FFE];
	[sflag:s24] =	ssyncadd.s32 $0xFFFFFFFF  }
0x1d: {  	s27 =	simm.s32 $execute0_lowered;
	[smem:$0x3FD2] =	sst s26  }
0x1e: {  	s5 =	sshll.u32 s27, $0x1;
	_ =	strace $0x80000049;
	[dreg:$0x1] =	wrdreg $0xFFFFFFFF  }
0x1f: {  	s28 =	simm.s32 $_size_execute0_lowered;
	s3 =	sadd.s32 s3, s5;
	[dreg:$0x0] =	wrdreg $0x0  }
0x20: {  	s5 =	sshll.u32 s28, $0x1;
	[dreg:$0x2] =	wrdreg s3  }
0x21: {  	[dreg:$0x3] =	wrdreg s5  }
0x22: {  	[dreg:$0x4] =	wrdreg $0xC0  }
0x23: {  	_ =	task [dreg:s7], $0x5FFFF  }
0x24: {  	[dreg:$0x1] =	wrdreg $0xFFFFFFFF  }
0x25: {  	[dreg:$0x0] =	wrdreg $0x60  }
0x26: {  	[dreg:$0x2] =	wrdreg s25  }
0x27: {  	[dreg:$0x3] =	wrdreg s2  }
0x28: {  	[dreg:$0x4] =	wrdreg $0x9  }
0x29: {  	_ =	task.clear_ibuf [dreg:s7], $0x5FFFF;
	_ =	strace $0x90000049  }
0x2a: {  	s29 =	simm.s32 $0x9;
	_ =	strace $0x8000004B  }
0x2b: {  	_ =	swait.ge [sflag:s29], $0x1  }
0x2c: {  	[sflag:s29] =	ssyncadd.s32 $0xFFFFFFFF  }
0x2d: {  	_ =	strace $0x9000004B  }
0x2e: {  	_ =	sfence  }
0x2f: {  	s30 =	sld [smem:$0x0];
	_ =	sdelay $0x2  }
0x30: {  	s31 =	sshll.u32 s1, $0xD;
	s1 =	sshrl.u32 s1, $0x2  }
0x31: {  	s3 =	sand.u32 $0x4000, s31;
	s1 =	sadd.s32 s1, s30  }
0x32: {  	s0 =	sor.u32 s3, s0;
	s1 =	sshll.u32 s1, $0x11  }
0x33: {  	s0 =	sor.u32 s1, s0  }
0x34: {  	s0 =	sadd.s32 $0x8F2B, s0  }
0x35: {  	[sflag:s0] =	ssyncadd.remote.s32 $0x1  }
0x36: {  	_ =	sfence.sel $0xFFFF  }
0x37: {  	[dreg:$0x0] =	wrdreg $0xFFFFFFFF;
	(pc) =	sbr.abs _section_cstart, $3  }
0x38: {  	[dreg:$0x1] =	wrdreg $0xFFFFFFFF  }
0x39: {  	_ =	task.clear_ibuf [dreg:s7], $0x2FFFF;
	_ =	strace $0x9FFFFFFF  }
0x3a: {  	(tm) =	ssettm $0x7FFFFFFF  }
0x3b: {  	_ =	shalt  }
tec
execute0_lowered:
.L_overlay_start_1:
0x0: {  	(tag) =	ssettag $0x1  }
0x1: {  	s0 =	srdreg.scid  }
0x2: {  	s7 =	rddreg [dreg:$0x0];
	s1 =	sshll.u32 s0, $0x4  }
0x3: {  	s3 =	rddreg [dreg:$0x1];
	s0 =	stileid.u32;
	s1 =	sand.u32 $0x10, s1  }
0x4: {  	s6 =	simm.s32 $0x1;
	s31 =	simm.s32 $0x2;
	s1 =	sor.u32 s0, s1  }
0x5: {  	s13 =	simm.s32 $0x0;
	s9 =	simm.s32 $0x4000;
	s2 =	sshll.u32 s1, $0x1  }
0x6: {  	s14 =	simm.s32 $0x0;
	s10 =	simm.s32 $0x0;
	s4 =	ssub.s32 $0x800, s2  }
0x7: {  	s12 =	simm.s32 $0x0;
	s1 =	rddreg [dreg:$0x2];
	s5 =	sand.u32 $0x3E, s4  }
.Ltmp0:
0x8: {  	_ =	strace $0x8000004A;
	p0 =	sne.s32 s5, $0x0;
	(pc) =	sbr.rel .LBB1_1-.Ltmp0, $4  }
0x9: {  	s11 =	smov.u32 s2;
	s8 =	sshrl.u32 s4, $0x6;
	s6 =	simm.s32 @!p0 $0x0  }
0xa: {  	s4 =	sadd.s32 $0x1A00, s7;
	s5 =	simm.s32 $0x1;
	s6 =	sadd.s32 s6, s8  }
0xb: {  	s7 =	sadd.s32 $0x9A00, s7;
	[sflag:s5] =	ssyncpa.u1 $0x0;
	s6 =	sshll.u32 s6, $0x4  }
0xc: {  	p0 =	por $0x0, $0x0;
	[sflag:s31] =	ssyncpa.u1 $0x0;
	s8 =	sor.u32 $0x1, s6  }
.LBB1_7:
0xd: {  	s15 =	sadd.s32 $0x80, s10  }
0xe: {  	s13 =	sadd.s32 $0x40, s11;
	s17 =	smov.u32 s11;
	p2 =	sgt.s32 s15, $0x7FF  }
0xf: {  	s17 =	smov.u32 @p2 s13  }
0x10: {  	s15 =	simm.s32 @p2 $0x0;
	p2 =	sgt.s32 s17, $0x7FF  }
0x11: {  	s17 =	smov.u32 @p2 s2;
	p2 =	sne.s32 s12, s8  }
.Ltmp1:
0x12: {  	p1 =	slt.u32 s12, $0x2;
	(pc) =	sbr.rel @!p2 .LBB1_8-.Ltmp1, $4  }
0x13: {  	s16 =	simm.s32 @!p1 $0x2  }
0x14: {  	s14 =	smov.u32 s11;
	p0 =	por !p0, !p0;
	_ =	swait.ge @!p1 [sflag:s16], $0x4000  }
0x15: {  	s13 =	smov.u32 s10;
	[sflag:s16] =	ssyncset.done @!p1 $0x0;
	s10 =	smov.u32 s15  }
0x16: {  	s12 =	sadd.s32 $0x1, s12;
	[sflag:s16] =	ssyncadd.s32 @!p1 $0xFFFFC000;
	s11 =	smov.u32 s17  }
.LBB1_1:
0x17: {  	p1 =	sge.u32 s12, s6  }
0x18: {  	s15 =	sxor.u32 @!p1 $0xFFFFFFFF, s12;
	s16 =	sshll.u32 @!p1 s11, $0xF  }
0x19: {  	s17 =	sshll.u32 @!p1 s10, $0x4;
	s19 =	simm.s32 @!p1 $0x40;
	s20 =	simm.s32 @!p1 $0x80  }
0x1a: {  	s15 =	sshll.u32 @!p1 s15, $0xE;
	s17 =	sand.u32 @!p1 $0x7FF0, s17;
	s18 =	sadd.s32 @!p1 s4, s16  }
0x1b: {  	s16 =	sadd.s32 @!p1 s16, s7;
	s15 =	sand.u32 @!p1 $0x4000, s15;
	s18 =	sadd.s32 @!p1 s17, s18  }
0x1c: {  	[tilespmem:s15], [sflag:$0x1] =	stream.strided.gather @!p1 [hbm4b:s18+s19], $0x2000, s20, s19, $0x38;
	[tilespmem:$0x10100] =	vst v63  }
0x1d: {  	s31 =	sadd.s32 $0xFFFFFFFF, s12;
	s16 =	sadd.s32 @!p1 s17, s16;
	s15 =	sor.u32 @!p1 $0x2000, s15  }
0x1e: {  	[tilespmem:s15], [sflag:$0x1] =	stream.strided.gather @!p1 [hbm4b:s16+s19], $0x2000, s20, s19, $0x38;
	[tilespmem:$0x10100] =	vst v63  }
0x1f: {  	p1 =	sge.u32 s31, s6  }
.Ltmp2:
0x20: {  	_ = 	snop;
	(pc) =	sbr.rel @p1 .LBB1_7-.Ltmp2, $1  }
0x21: {  	_ =	sdelay $0x3  }
0x22: {  	s15 =	simm.s32 $0x1;
	s17 =	sand.u32 $0x1, s12  }
0x23: {  	_ =	swait.ge [sflag:s5], $0x4000;
	s15 =	simm.s32 @!p0 $0x0;
	s17 =	smul.u32 $0x10200, s17  }
0x24: {  	p2 =	por $0x1, $0x1;
	[sflag:s5] =	ssyncset.done $0x0;
	s16 =	smul.u32 $0x10200, s15  }
0x25: {  	s18 =	sshll.u32 s15, $0x10;
	[sflag:s5] =	ssyncadd.s32 $0xFFFFC000;
	s30 =	sshrl.u32 s17, $0x2  }
0x26: {  	s31 =	sshrl.u32 s18, $0x2;
	s18 =	simm.s32 $0x0;
	s16 =	sshrl.u32 s16, $0x2  }
0x27: {  	s15 =	sor.u32 $0x8000, s30;
	s17 =	sadd.s32 $0x20, s31;
	s16 =	sor.u32 $0x8000, s16  }
.LBB1_3:
0x28: {  	s19 =	sshll.u32 s18, $0xD  }
0x29: {  	s19 =	sand.u32 $0x3FFFE000, s19  }
0x2a: {  	s21 =	sadd.s32 s19, s17  }
0x2b: {  	s31 =	smul.u32 $0x8100, s18;
	v3 =	vld [tilespmem:s21+$0x10]  }
0x2c: {  	v1 =	vld [tilespmem:s21+$0xFFFFFFF0]  }
0x2d: {  	s18 =	sshra.s32 s31, $0x2;
	v0 =	vld [tilespmem:s21+$0x0]  }
0x2e: {  	s18 =	sadd.s32 s18, s16;
	v2 =	vld [tilespmem:s21+$0xFFFFFFE0]  }
0x2f: {  	s19 =	sadd.s32 $0x0, s18  }
0x30: {  	p1 =	por p2, p2;
	s20 =	simm.s32 $0x4;
	s21 =	sadd.s32 $0x40, s21;
	[tilespmem:s19+$0x1830 ss:$0x81] =	vst.msk $0xffff, v3  }
.LBB1_4:
0x31: {  	v3 =	vld [tilespmem:s21+$0x10];
	p2 =	sne.s32 s20, $0x1FC;
	[tilespmem:s19+$0x810 ss:$0x81] =	vst.msk $0xffff, v1;
	s22 =	smov.u32 s20;
	s20 =	sadd.s32 $0x4, s20  }
.Ltmp3:
0x32: {  	v1 =	vld [tilespmem:s21+$0xFFFFFFF0];
	[tilespmem:s19+$0x1020 ss:$0x81] =	vst.msk $0xffff, v0;
	(pc) =	sbr.rel @p2 .LBB1_4-.Ltmp3, $4  }
0x33: {  	v0 =	vld [tilespmem:s21+$0x0];
	[tilespmem:s19+$0x0 ss:$0x81] =	vst.msk $0xffff, v2  }
0x34: {  	s19 =	sshra.s32 s22, $0x2;
	v2 =	vld [tilespmem:s21+$0xFFFFFFE0]  }
0x35: {  	s19 =	sadd.s32 s19, s18  }
0x36: {  	s21 =	sadd.s32 $0x40, s21;
	[tilespmem:s19+$0x1830 ss:$0x81] =	vst.msk $0xffff, v3  }
.Ltmp4:
0x37: {  	(pc) =	sbr.rel @p1 .LBB1_3-.Ltmp4, $4  }
0x38: {  	_ = 	snop  }
0x39: {  	[tilespmem:s19+$0x810 ss:$0x81] =	vst.msk $0xffff, v1  }
0x3a: {  	[tilespmem:s19+$0x1020 ss:$0x81] =	vst.msk $0xffff, v0  }
0x3b: {  	s18 =	simm.s32 $0x1;
	p2 =	por $0x0, $0x0;
	[tilespmem:s19+$0x0 ss:$0x81] =	vst.msk $0xffff, v2  }
0x3c: {  	s16 =	sshll.u32 s13, $0x3;
	s17 =	sand.u32 $0x78, s13;
	s14 =	sshll.u32 s14, $0xE  }
.Ltmp5:
0x3d: {  	s30 =	sand.u32 $0x3F00, s13;
	s16 =	sand.u32 $0x400, s16;
	(pc) =	sbr.rel .LBB1_7-.Ltmp5, $4  }
0x3e: {  	s31 =	sand.u32 $0x7, s13;
	s14 =	sadd.s32 s3, s14;
	s16 =	sor.u32 s17, s16  }
0x3f: {  	s13 =	sshll.u32 s31, $0x12;
	s14 =	sadd.s32 s30, s14;
	s16 =	sshrl.u32 s16, $0x3  }
0x40: {  	s13 =	sor.u32 $0x400, s13;
	s14 =	sadd.s32 s16, s14  }
0x41: {  	[hbm4b:s14+s13] =	stream.strided.scatter [tilespmem:s15], [sflag:$0x2], $0x4000, s9, s13, $0x20;
	[tilespmem:$0x10100] =	vst v63  }
.LBB1_8:
0x42: {  	_ =	sfence.sel $0x180000  }
0x43: {  	s2 =	simm.s32 $0x1;
	[bflag:$0x0] =	sbarrier.arrive $0xFFFF  }
0x44: {  	s31 =	simm.s32 $0x2;
	[sflag:s2] =	ssyncpa.u1 $0x1  }
0x45: {  	[sflag:s31] =	ssyncpa.u1 $0x1  }
0x46: {  	p0 =	sne.s32 s0, $0x0;
	_ =	strace $0x9000004A  }
0x47: {  	s0 =	sadd.s32 @!p0 $0x100000, s1;
	[bflag:$0x2] =	sbarrier.arrive $0xFFFF  }
0x48: {  	[sflag:s0] =	ssyncadd.tile.s32 @!p0 $0x1;
	_ =	shalt  }
.Lfunc_end1:
_tile_overlayer_lowered:
.L_overlay_start_2:
0x49: {  	(tag) =	ssettag $0x2  }
0x4a: {  	s0 =	rddreg [dreg:$0x0];
	s2 =	stileid.u32  }
0x4b: {  	s1 =	rddreg [dreg:$0x1];
	p0 =	sne.s32 s2, $0x0  }
0x4c: {  	s3 =	rddreg [dreg:$0x2];
	[bflag:$0x3] =	sbarrier.arrive $0xFFFF;
	s2 =	simm.s32 @!p0 $0x1C01  }
0x4d: {  	[timem:s3], [sflag:s2] =	dma.local @!p0 [hbm:s0], s1  }
0x4e: {  	s0 =	simm.s32 @!p0 $0x1  }
0x4f: {  	_ =	swait.ge @!p0 [sflag:s0], s1  }
0x50: {  	s1 =	ssub.s32 @!p0 $0x0, s1;
	[sflag:s0] =	ssyncset.done @!p0 $0x0  }
0x51: {  	[sflag:s0] =	ssyncadd.s32 @!p0 s1  }
0x52: {  	[bflag:$0x3] =	sbarrier.arrive $0xFFFF  }
0x53: {  	_ =	shalt  }

</sc_bundles>
